<compile_context>
chip_gen: v7x
topology: tpu7x:2x2x1
jax: 0.10.2.dev20260603
libtpu: 0.0.44.dev20260713+nightly
codegen_flags: <defaults>
</compile_context>

<pallas_src>
import functools

import jax
import jax.numpy as jnp
from jax import lax
from jax.experimental import pallas as pl
from jax.experimental.pallas import tpu as pltpu
from jax.experimental.pallas import tpu_sc as plsc

_CW = 16384
_CHUNK = 128
_LANES = 16


def _pair_body(a_ref, b_ref, z_ref):
    stacked = jnp.concatenate([a_ref[...], b_ref[...]], axis=0)
    z_ref[...] = jnp.transpose(stacked, (1, 0))


@functools.lru_cache(maxsize=None)
def _make_pair(V, D):
    H = ((V // 2) + _CW - 1) // _CW * _CW
    n_steps = H // _CW
    hb = H // _CW
    last_b = (V + _CW - 1) // _CW - 1
    return pl.pallas_call(
        _pair_body,
        grid=(n_steps,),
        in_specs=[
            pl.BlockSpec((D, _CW), lambda i: (0, i)),
            pl.BlockSpec((D, _CW), lambda i: (0, jnp.minimum(i + hb, last_b))),
        ],
        out_specs=pl.BlockSpec((_CW, 2 * D), lambda i: (i, 0)),
        out_shape=jax.ShapeDtypeStruct((H, 2 * D), jnp.float32),
    )


@functools.lru_cache(maxsize=None)
def _make_gather(H, B, NC, NS):
    NW = NC * NS
    b_per_w = B // NW
    n_ch = b_per_w // _CHUNK
    mesh = plsc.VectorSubcoreMesh(core_axis_name="c", subcore_axis_name="s")

    @functools.partial(
        pl.kernel,
        out_type=jax.ShapeDtypeStruct((B, 128), jnp.float32),
        mesh=mesh,
        scratch_types=[
            pltpu.VMEM((n_ch, _CHUNK), jnp.int32),
            pltpu.VMEM((n_ch, _CHUNK), jnp.int32),
            pltpu.VMEM((b_per_w,), jnp.int32),
            pltpu.VMEM((b_per_w, 128), jnp.float32),
            [pltpu.SemaphoreType.DMA] * (b_per_w // _CHUNK),
        ],
        compiler_params=pltpu.CompilerParams(
            use_tc_tiling_on_sc=True, needs_layout_passes=False
        ),
    )
    def gather_kernel(z_hbm, idx_hbm, out_hbm, idx_v, pair_v, half_v, rows_v, sems):
        wid = lax.axis_index("s") * NC + lax.axis_index("c")
        base = wid * b_per_w
        pltpu.sync_copy(idx_hbm.at[wid], idx_v)

        for g in range(n_ch):
            for l in range(_CHUNK // _LANES):
                v = idx_v[g, pl.ds(l * _LANES, _LANES)]
                m = (v >= H).astype(jnp.int32)
                pair_v[g, pl.ds(l * _LANES, _LANES)] = v - m * H
                half_v[pl.ds(g * _CHUNK + l * _LANES, _LANES)] = m

        copies = [
            pltpu.async_copy(
                z_hbm.at[pair_v.at[g]],
                rows_v.at[pl.ds(g * _CHUNK, _CHUNK)],
                sems[g],
            )
            for g in range(n_ch)
        ]

        def sel_body(i, carry):
            splat = jnp.zeros((_LANES,), jnp.int32) + i
            m = plsc.load_gather(half_v, [splat]) != 0
            for k in range(64 // _LANES):
                lo = rows_v[i, pl.ds(k * _LANES, _LANES)]
                hi = rows_v[i, pl.ds(64 + k * _LANES, _LANES)]
                rows_v[i, pl.ds(k * _LANES, _LANES)] = jnp.where(m, hi, lo)
            return carry

        for g in range(n_ch):
            copies[g].wait()
            lax.fori_loop(g * _CHUNK, (g + 1) * _CHUNK, sel_body, 0)
        pltpu.sync_copy(rows_v, out_hbm.at[pl.ds(base, b_per_w)])

    return gather_kernel


def kernel(x, dim, index, out):
    del dim, out
    V, D = x.shape
    B = index.shape[0]
    info = plsc.get_sparse_core_info()
    NC, NS = info.num_cores, info.num_subcores
    NW = NC * NS
    H = ((V // 2) + _CW - 1) // _CW * _CW
    xt = x.T
    z = _make_pair(V, D)(xt, xt)
    idx3 = index.astype(jnp.int32).reshape(NW, (B // NW) // _CHUNK, _CHUNK)
    y = _make_gather(H, B, NC, NS)(z, idx3)
    return y[:, :D]

# --- scband reference (transcript-rebuilt; emitter-appended) ---
"""Pipeline reference for scband-torch-ops-aten-index-select-dimname-out-module-66236985639546 (READ-ONLY COPY).

The authoritative reference and input builder live on the scoring server;
editing this copy changes nothing except your own understanding.
"""

import jax, jax.numpy as jnp
import numpy as np


def setup_inputs(seed: int = 0) -> dict:
    key = jax.random.key(seed)
    k1, k2 = jax.random.split(key)
    x = jax.random.normal(k1, (1000000, 64), dtype=jnp.float32)
    index = jax.random.randint(k2, (16384,), 0, 1000000)
    out = jnp.zeros((16384, 64), dtype=jnp.float32)
    return {"x": x, "dim": 0, "index": index, "out": out}


def reference(x, dim, index, out):
    # aten.index_select.dimname_out: gathers rows of x along `dim` at `index`,
    # writing into `out`. In functional JAX, `out` is simply overwritten, so the
    # result is the gather itself.
    idx = index + (jnp.asarray(dim) * 0).astype(index.dtype)
    return jnp.take(x, idx, axis=0)

if __name__ == "__main__":
    import jax
    _d = setup_inputs()
    print(jax.jit(kernel)(*tuple(_d.values())))

</pallas_src>

<mosaic_0001>
#map = affine_map<(d0, d1) -> (0, 0)>
#map1 = affine_map<(d0, d1) -> (0, 0, 0)>
module attributes {stable_mosaic.version = 14 : i64} {
  func.func @gather_kernel(%arg0: i32, %arg1: i32, %arg2: memref<507904x128xf32, #tpu.memory_space<hbm>>, %arg3: memref<32x4x128xi32, #tpu.memory_space<hbm>>, %arg4: memref<16384x128xf32, #tpu.memory_space<hbm>>, %arg5: memref<4x128xi32, #tpu.memory_space<vmem>>, %arg6: memref<4x128xi32, #tpu.memory_space<vmem>>, %arg7: memref<512xi32, #tpu.memory_space<vmem>>, %arg8: memref<512x128xf32, #tpu.memory_space<vmem>>, %arg9: memref<!tpu.dma_semaphore, #tpu.memory_space<semaphore_mem>>, %arg10: memref<!tpu.dma_semaphore, #tpu.memory_space<semaphore_mem>>, %arg11: memref<!tpu.dma_semaphore, #tpu.memory_space<semaphore_mem>>, %arg12: memref<!tpu.dma_semaphore, #tpu.memory_space<semaphore_mem>>) attributes {dimension_semantics = [#tpu.dimension_semantics<core_parallel>, #tpu.dimension_semantics<subcore_parallel>], iteration_bounds = array<i64: 2, 16>, scalar_prefetch = 0 : i64, scratch_operands = 8 : i64, tpu.core_type = #tpu.core_type<sc_vector_subcore>, window_params = [{transform_indices = #map}, {transform_indices = #map1}, {transform_indices = #map}]} {
    %mul3A = arith.constant 2 : i32
    %mul3A_0 = arith.muli %arg1, %mul3A : i32
    %add3A = arith.addi %mul3A_0, %arg0 : i32
    %mul3A_1 = arith.constant 512 : i32
    %mul3A_2 = arith.muli %add3A, %mul3A_1 : i32
    "tpu.region"() ({
      %run_scoped3A = tpu.sem_alloc : memref<!tpu.dma_semaphore, #tpu.memory_space<semaphore_mem>>
      %dma_start3A_675 = arith.constant 0 : i32
      %dma_start3A_676 = arith.constant 0 : i32
      %dma_start3A_677 = tpu.memref_slice %arg3[%add3A, %dma_start3A_675, %dma_start3A_676] : memref<32x4x128xi32, #tpu.memory_space<hbm>> -> memref<1x4x128xi32, #tpu.memory_space<hbm>>
      %dma_start3A_678 = tpu.memref_squeeze %dma_start3A_677 : memref<1x4x128xi32, #tpu.memory_space<hbm>> -> memref<4x128xi32, #tpu.memory_space<hbm>>
      %dma_start3A_679 = arith.constant 0 : i32
      %dma_start3A_680 = arith.constant 0 : i32
      %dma_start3A_681 = tpu.memref_slice %arg3[%add3A, %dma_start3A_679, %dma_start3A_680] : memref<32x4x128xi32, #tpu.memory_space<hbm>> -> memref<1x4x128xi32, #tpu.memory_space<hbm>>
      %dma_start3A_682 = tpu.memref_squeeze %dma_start3A_681 : memref<1x4x128xi32, #tpu.memory_space<hbm>> -> memref<4x128xi32, #tpu.memory_space<hbm>>
      tpu.enqueue_dma source(%dma_start3A_682 : memref<4x128xi32, #tpu.memory_space<hbm>>) target(%arg5 : memref<4x128xi32, #tpu.memory_space<vmem>>) target_semaphore(%run_scoped3A : memref<!tpu.dma_semaphore, #tpu.memory_space<semaphore_mem>>)
      %dma_wait3A_683 = arith.constant 0 : i32
      %dma_wait3A_684 = arith.constant 0 : i32
      %dma_wait3A_685 = tpu.memref_slice %arg3[%add3A, %dma_wait3A_683, %dma_wait3A_684] : memref<32x4x128xi32, #tpu.memory_space<hbm>> -> memref<1x4x128xi32, #tpu.memory_space<hbm>>
      %dma_wait3A_686 = tpu.memref_squeeze %dma_wait3A_685 : memref<1x4x128xi32, #tpu.memory_space<hbm>> -> memref<4x128xi32, #tpu.memory_space<hbm>>
      %dma_wait3A_687 = arith.constant 0 : i32
      %dma_wait3A_688 = arith.constant 0 : i32
      %dma_wait3A_689 = tpu.memref_slice %arg3[%add3A, %dma_wait3A_687, %dma_wait3A_688] : memref<32x4x128xi32, #tpu.memory_space<hbm>> -> memref<1x4x128xi32, #tpu.memory_space<hbm>>
      %dma_wait3A_690 = tpu.memref_squeeze %dma_wait3A_689 : memref<1x4x128xi32, #tpu.memory_space<hbm>> -> memref<4x128xi32, #tpu.memory_space<hbm>>
      tpu.wait_dma2 semaphore(%run_scoped3A : memref<!tpu.dma_semaphore, #tpu.memory_space<semaphore_mem>>) src(%dma_wait3A_690 : memref<4x128xi32, #tpu.memory_space<hbm>>) dst(%arg5 : memref<4x128xi32, #tpu.memory_space<vmem>>)
      tpu.yield
    }) : () -> ()
    %get3A = arith.constant 0 : i32
    %get3A_3 = arith.index_cast %get3A : i32 to index
    %get3A_4 = arith.constant 0 : index
    %get3A_5 = tpu.vector_load %arg5[%get3A_3, %get3A_4] {strides = array<i32>} : memref<4x128xi32, #tpu.memory_space<vmem>>, vector<16xi32>,
    %ge3A = arith.constant 507904 : i32
    %ge3A_6 = vector.broadcast %ge3A : i32 to vector<16xi32>
    %ge3A_7 = arith.cmpi sge, %get3A_5, %ge3A_6 : vector<16xi32>
    %convert_element_type3A = arith.extui %ge3A_7 : vector<16xi1> to vector<16xi32>
    %mul3A_8 = arith.constant 507904 : i32
    %mul3A_9 = vector.broadcast %mul3A_8 : i32 to vector<16xi32>
    %mul3A_10 = arith.muli %convert_element_type3A, %mul3A_9 : vector<16xi32>
    %sub3A = arith.subi %get3A_5, %mul3A_10 : vector<16xi32>
    %swap3A = arith.constant 0 : i32
    %swap3A_11 = arith.index_cast %swap3A : i32 to index
    %swap3A_12 = arith.constant 0 : index
    %swap3A_13 = tpu.vector_load %arg6[%swap3A_11, %swap3A_12] {strides = array<i32>} : memref<4x128xi32, #tpu.memory_space<vmem>>, vector<16xi32>,
    tpu.vector_store %arg6[%swap3A_11, %swap3A_12], %sub3A {strides = array<i32>} : memref<4x128xi32, #tpu.memory_space<vmem>>, vector<16xi32>,
    %swap3A_14 = arith.constant 0 : index
    %swap3A_15 = tpu.vector_load %arg7[%swap3A_14] {strides = array<i32>} : memref<512xi32, #tpu.memory_space<vmem>>, vector<16xi32>,
    tpu.vector_store %arg7[%swap3A_14], %convert_element_type3A {strides = array<i32>} : memref<512xi32, #tpu.memory_space<vmem>>, vector<16xi32>,
    %get3A_16 = arith.constant 0 : i32
    %get3A_17 = arith.index_cast %get3A_16 : i32 to index
    %get3A_18 = arith.constant 16 : index
    %get3A_19 = tpu.vector_load %arg5[%get3A_17, %get3A_18] {strides = array<i32>} : memref<4x128xi32, #tpu.memory_space<vmem>>, vector<16xi32>,
    %ge3A_20 = arith.constant 507904 : i32
    %ge3A_21 = vector.broadcast %ge3A_20 : i32 to vector<16xi32>
    %ge3A_22 = arith.cmpi sge, %get3A_19, %ge3A_21 : vector<16xi32>
    %convert_element_type3A_23 = arith.extui %ge3A_22 : vector<16xi1> to vector<16xi32>
    %mul3A_24 = arith.constant 507904 : i32
    %mul3A_25 = vector.broadcast %mul3A_24 : i32 to vector<16xi32>
    %mul3A_26 = arith.muli %convert_element_type3A_23, %mul3A_25 : vector<16xi32>
    %sub3A_27 = arith.subi %get3A_19, %mul3A_26 : vector<16xi32>
    %swap3A_28 = arith.constant 0 : i32
    %swap3A_29 = arith.index_cast %swap3A_28 : i32 to index
    %swap3A_30 = arith.constant 16 : index
    %swap3A_31 = tpu.vector_load %arg6[%swap3A_29, %swap3A_30] {strides = array<i32>} : memref<4x128xi32, #tpu.memory_space<vmem>>, vector<16xi32>,
    tpu.vector_store %arg6[%swap3A_29, %swap3A_30], %sub3A_27 {strides = array<i32>} : memref<4x128xi32, #tpu.memory_space<vmem>>, vector<16xi32>,
    %swap3A_32 = arith.constant 16 : index
    %swap3A_33 = tpu.vector_load %arg7[%swap3A_32] {strides = array<i32>} : memref<512xi32, #tpu.memory_space<vmem>>, vector<16xi32>,
    tpu.vector_store %arg7[%swap3A_32], %convert_element_type3A_23 {strides = array<i32>} : memref<512xi32, #tpu.memory_space<vmem>>, vector<16xi32>,
    %get3A_34 = arith.constant 0 : i32
    %get3A_35 = arith.index_cast %get3A_34 : i32 to index
    %get3A_36 = arith.constant 32 : index
    %get3A_37 = tpu.vector_load %arg5[%get3A_35, %get3A_36] {strides = array<i32>} : memref<4x128xi32, #tpu.memory_space<vmem>>, vector<16xi32>,
    %ge3A_38 = arith.constant 507904 : i32
    %ge3A_39 = vector.broadcast %ge3A_38 : i32 to vector<16xi32>
    %ge3A_40 = arith.cmpi sge, %get3A_37, %ge3A_39 : vector<16xi32>
    %convert_element_type3A_41 = arith.extui %ge3A_40 : vector<16xi1> to vector<16xi32>
    %mul3A_42 = arith.constant 507904 : i32
    %mul3A_43 = vector.broadcast %mul3A_42 : i32 to vector<16xi32>
    %mul3A_44 = arith.muli %convert_element_type3A_41, %mul3A_43 : vector<16xi32>
    %sub3A_45 = arith.subi %get3A_37, %mul3A_44 : vector<16xi32>
    %swap3A_46 = arith.constant 0 : i32
    %swap3A_47 = arith.index_cast %swap3A_46 : i32 to index
    %swap3A_48 = arith.constant 32 : index
    %swap3A_49 = tpu.vector_load %arg6[%swap3A_47, %swap3A_48] {strides = array<i32>} : memref<4x128xi32, #tpu.memory_space<vmem>>, vector<16xi32>,
    tpu.vector_store %arg6[%swap3A_47, %swap3A_48], %sub3A_45 {strides = array<i32>} : memref<4x128xi32, #tpu.memory_space<vmem>>, vector<16xi32>,
    %swap3A_50 = arith.constant 32 : index
    %swap3A_51 = tpu.vector_load %arg7[%swap3A_50] {strides = array<i32>} : memref<512xi32, #tpu.memory_space<vmem>>, vector<16xi32>,
    tpu.vector_store %arg7[%swap3A_50], %convert_element_type3A_41 {strides = array<i32>} : memref<512xi32, #tpu.memory_space<vmem>>, vector<16xi32>,
    %get3A_52 = arith.constant 0 : i32
    %get3A_53 = arith.index_cast %get3A_52 : i32 to index
    %get3A_54 = arith.constant 48 : index
    %get3A_55 = tpu.vector_load %arg5[%get3A_53, %get3A_54] {strides = array<i32>} : memref<4x128xi32, #tpu.memory_space<vmem>>, vector<16xi32>,
    %ge3A_56 = arith.constant 507904 : i32
    %ge3A_57 = vector.broadcast %ge3A_56 : i32 to vector<16xi32>
    %ge3A_58 = arith.cmpi sge, %get3A_55, %ge3A_57 : vector<16xi32>
    %convert_element_type3A_59 = arith.extui %ge3A_58 : vector<16xi1> to vector<16xi32>
    %mul3A_60 = arith.constant 507904 : i32
    %mul3A_61 = vector.broadcast %mul3A_60 : i32 to vector<16xi32>
    %mul3A_62 = arith.muli %convert_element_type3A_59, %mul3A_61 : vector<16xi32>
    %sub3A_63 = arith.subi %get3A_55, %mul3A_62 : vector<16xi32>
    %swap3A_64 = arith.constant 0 : i32
    %swap3A_65 = arith.index_cast %swap3A_64 : i32 to index
    %swap3A_66 = arith.constant 48 : index
    %swap3A_67 = tpu.vector_load %arg6[%swap3A_65, %swap3A_66] {strides = array<i32>} : memref<4x128xi32, #tpu.memory_space<vmem>>, vector<16xi32>,
    tpu.vector_store %arg6[%swap3A_65, %swap3A_66], %sub3A_63 {strides = array<i32>} : memref<4x128xi32, #tpu.memory_space<vmem>>, vector<16xi32>,
    %swap3A_68 = arith.constant 48 : index
    %swap3A_69 = tpu.vector_load %arg7[%swap3A_68] {strides = array<i32>} : memref<512xi32, #tpu.memory_space<vmem>>, vector<16xi32>,
    tpu.vector_store %arg7[%swap3A_68], %convert_element_type3A_59 {strides = array<i32>} : memref<512xi32, #tpu.memory_space<vmem>>, vector<16xi32>,
    %get3A_70 = arith.constant 0 : i32
    %get3A_71 = arith.index_cast %get3A_70 : i32 to index
    %get3A_72 = arith.constant 64 : index
    %get3A_73 = tpu.vector_load %arg5[%get3A_71, %get3A_72] {strides = array<i32>} : memref<4x128xi32, #tpu.memory_space<vmem>>, vector<16xi32>,
    %ge3A_74 = arith.constant 507904 : i32
    %ge3A_75 = vector.broadcast %ge3A_74 : i32 to vector<16xi32>
    %ge3A_76 = arith.cmpi sge, %get3A_73, %ge3A_75 : vector<16xi32>
    %convert_element_type3A_77 = arith.extui %ge3A_76 : vector<16xi1> to vector<16xi32>
    %mul3A_78 = arith.constant 507904 : i32
    %mul3A_79 = vector.broadcast %mul3A_78 : i32 to vector<16xi32>
    %mul3A_80 = arith.muli %convert_element_type3A_77, %mul3A_79 : vector<16xi32>
    %sub3A_81 = arith.subi %get3A_73, %mul3A_80 : vector<16xi32>
    %swap3A_82 = arith.constant 0 : i32
    %swap3A_83 = arith.index_cast %swap3A_82 : i32 to index
    %swap3A_84 = arith.constant 64 : index
    %swap3A_85 = tpu.vector_load %arg6[%swap3A_83, %swap3A_84] {strides = array<i32>} : memref<4x128xi32, #tpu.memory_space<vmem>>, vector<16xi32>,
    tpu.vector_store %arg6[%swap3A_83, %swap3A_84], %sub3A_81 {strides = array<i32>} : memref<4x128xi32, #tpu.memory_space<vmem>>, vector<16xi32>,
    %swap3A_86 = arith.constant 64 : index
    %swap3A_87 = tpu.vector_load %arg7[%swap3A_86] {strides = array<i32>} : memref<512xi32, #tpu.memory_space<vmem>>, vector<16xi32>,
    tpu.vector_store %arg7[%swap3A_86], %convert_element_type3A_77 {strides = array<i32>} : memref<512xi32, #tpu.memory_space<vmem>>, vector<16xi32>,
    %get3A_88 = arith.constant 0 : i32
    %get3A_89 = arith.index_cast %get3A_88 : i32 to index
    %get3A_90 = arith.constant 80 : index
    %get3A_91 = tpu.vector_load %arg5[%get3A_89, %get3A_90] {strides = array<i32>} : memref<4x128xi32, #tpu.memory_space<vmem>>, vector<16xi32>,
    %ge3A_92 = arith.constant 507904 : i32
    %ge3A_93 = vector.broadcast %ge3A_92 : i32 to vector<16xi32>
    %ge3A_94 = arith.cmpi sge, %get3A_91, %ge3A_93 : vector<16xi32>
    %convert_element_type3A_95 = arith.extui %ge3A_94 : vector<16xi1> to vector<16xi32>
    %mul3A_96 = arith.constant 507904 : i32
    %mul3A_97 = vector.broadcast %mul3A_96 : i32 to vector<16xi32>
    %mul3A_98 = arith.muli %convert_element_type3A_95, %mul3A_97 : vector<16xi32>
    %sub3A_99 = arith.subi %get3A_91, %mul3A_98 : vector<16xi32>
    %swap3A_100 = arith.constant 0 : i32
    %swap3A_101 = arith.index_cast %swap3A_100 : i32 to index
    %swap3A_102 = arith.constant 80 : index
    %swap3A_103 = tpu.vector_load %arg6[%swap3A_101, %swap3A_102] {strides = array<i32>} : memref<4x128xi32, #tpu.memory_space<vmem>>, vector<16xi32>,
    tpu.vector_store %arg6[%swap3A_101, %swap3A_102], %sub3A_99 {strides = array<i32>} : memref<4x128xi32, #tpu.memory_space<vmem>>, vector<16xi32>,
    %swap3A_104 = arith.constant 80 : index
    %swap3A_105 = tpu.vector_load %arg7[%swap3A_104] {strides = array<i32>} : memref<512xi32, #tpu.memory_space<vmem>>, vector<16xi32>,
    tpu.vector_store %arg7[%swap3A_104], %convert_element_type3A_95 {strides = array<i32>} : memref<512xi32, #tpu.memory_space<vmem>>, vector<16xi32>,
    %get3A_106 = arith.constant 0 : i32
    %get3A_107 = arith.index_cast %get3A_106 : i32 to index
    %get3A_108 = arith.constant 96 : index
    %get3A_109 = tpu.vector_load %arg5[%get3A_107, %get3A_108] {strides = array<i32>} : memref<4x128xi32, #tpu.memory_space<vmem>>, vector<16xi32>,
    %ge3A_110 = arith.constant 507904 : i32
    %ge3A_111 = vector.broadcast %ge3A_110 : i32 to vector<16xi32>
    %ge3A_112 = arith.cmpi sge, %get3A_109, %ge3A_111 : vector<16xi32>
    %convert_element_type3A_113 = arith.extui %ge3A_112 : vector<16xi1> to vector<16xi32>
    %mul3A_114 = arith.constant 507904 : i32
    %mul3A_115 = vector.broadcast %mul3A_114 : i32 to vector<16xi32>
    %mul3A_116 = arith.muli %convert_element_type3A_113, %mul3A_115 : vector<16xi32>
    %sub3A_117 = arith.subi %get3A_109, %mul3A_116 : vector<16xi32>
    %swap3A_118 = arith.constant 0 : i32
    %swap3A_119 = arith.index_cast %swap3A_118 : i32 to index
    %swap3A_120 = arith.constant 96 : index
    %swap3A_121 = tpu.vector_load %arg6[%swap3A_119, %swap3A_120] {strides = array<i32>} : memref<4x128xi32, #tpu.memory_space<vmem>>, vector<16xi32>,
    tpu.vector_store %arg6[%swap3A_119, %swap3A_120], %sub3A_117 {strides = array<i32>} : memref<4x128xi32, #tpu.memory_space<vmem>>, vector<16xi32>,
    %swap3A_122 = arith.constant 96 : index
    %swap3A_123 = tpu.vector_load %arg7[%swap3A_122] {strides = array<i32>} : memref<512xi32, #tpu.memory_space<vmem>>, vector<16xi32>,
    tpu.vector_store %arg7[%swap3A_122], %convert_element_type3A_113 {strides = array<i32>} : memref<512xi32, #tpu.memory_space<vmem>>, vector<16xi32>,
    %get3A_124 = arith.constant 0 : i32
    %get3A_125 = arith.index_cast %get3A_124 : i32 to index
    %get3A_126 = arith.constant 112 : index
    %get3A_127 = tpu.vector_load %arg5[%get3A_125, %get3A_126] {strides = array<i32>} : memref<4x128xi32, #tpu.memory_space<vmem>>, vector<16xi32>,
    %ge3A_128 = arith.constant 507904 : i32
    %ge3A_129 = vector.broadcast %ge3A_128 : i32 to vector<16xi32>
    %ge3A_130 = arith.cmpi sge, %get3A_127, %ge3A_129 : vector<16xi32>
    %convert_element_type3A_131 = arith.extui %ge3A_130 : vector<16xi1> to vector<16xi32>
    %mul3A_132 = arith.constant 507904 : i32
    %mul3A_133 = vector.broadcast %mul3A_132 : i32 to vector<16xi32>
    %mul3A_134 = arith.muli %convert_element_type3A_131, %mul3A_133 : vector<16xi32>
    %sub3A_135 = arith.subi %get3A_127, %mul3A_134 : vector<16xi32>
    %swap3A_136 = arith.constant 0 : i32
    %swap3A_137 = arith.index_cast %swap3A_136 : i32 to index
    %swap3A_138 = arith.constant 112 : index
    %swap3A_139 = tpu.vector_load %arg6[%swap3A_137, %swap3A_138] {strides = array<i32>} : memref<4x128xi32, #tpu.memory_space<vmem>>, vector<16xi32>,
    tpu.vector_store %arg6[%swap3A_137, %swap3A_138], %sub3A_135 {strides = array<i32>} : memref<4x128xi32, #tpu.memory_space<vmem>>, vector<16xi32>,
    %swap3A_140 = arith.constant 112 : index
    %swap3A_141 = tpu.vector_load %arg7[%swap3A_140] {strides = array<i32>} : memref<512xi32, #tpu.memory_space<vmem>>, vector<16xi32>,
    tpu.vector_store %arg7[%swap3A_140], %convert_element_type3A_131 {strides = array<i32>} : memref<512xi32, #tpu.memory_space<vmem>>, vector<16xi32>,
    %get3A_142 = arith.constant 1 : i32
    %get3A_143 = arith.index_cast %get3A_142 : i32 to index
    %get3A_144 = arith.constant 0 : index
    %get3A_145 = tpu.vector_load %arg5[%get3A_143, %get3A_144] {strides = array<i32>} : memref<4x128xi32, #tpu.memory_space<vmem>>, vector<16xi32>,
    %ge3A_146 = arith.constant 507904 : i32
    %ge3A_147 = vector.broadcast %ge3A_146 : i32 to vector<16xi32>
    %ge3A_148 = arith.cmpi sge, %get3A_145, %ge3A_147 : vector<16xi32>
    %convert_element_type3A_149 = arith.extui %ge3A_148 : vector<16xi1> to vector<16xi32>
    %mul3A_150 = arith.constant 507904 : i32
    %mul3A_151 = vector.broadcast %mul3A_150 : i32 to vector<16xi32>
    %mul3A_152 = arith.muli %convert_element_type3A_149, %mul3A_151 : vector<16xi32>
    %sub3A_153 = arith.subi %get3A_145, %mul3A_152 : vector<16xi32>
    %swap3A_154 = arith.constant 1 : i32
    %swap3A_155 = arith.index_cast %swap3A_154 : i32 to index
    %swap3A_156 = arith.constant 0 : index
    %swap3A_157 = tpu.vector_load %arg6[%swap3A_155, %swap3A_156] {strides = array<i32>} : memref<4x128xi32, #tpu.memory_space<vmem>>, vector<16xi32>,
    tpu.vector_store %arg6[%swap3A_155, %swap3A_156], %sub3A_153 {strides = array<i32>} : memref<4x128xi32, #tpu.memory_space<vmem>>, vector<16xi32>,
    %swap3A_158 = arith.constant 128 : index
    %swap3A_159 = tpu.vector_load %arg7[%swap3A_158] {strides = array<i32>} : memref<512xi32, #tpu.memory_space<vmem>>, vector<16xi32>,
    tpu.vector_store %arg7[%swap3A_158], %convert_element_type3A_149 {strides = array<i32>} : memref<512xi32, #tpu.memory_space<vmem>>, vector<16xi32>,
    %get3A_160 = arith.constant 1 : i32
    %get3A_161 = arith.index_cast %get3A_160 : i32 to index
    %get3A_162 = arith.constant 16 : index
    %get3A_163 = tpu.vector_load %arg5[%get3A_161, %get3A_162] {strides = array<i32>} : memref<4x128xi32, #tpu.memory_space<vmem>>, vector<16xi32>,
    %ge3A_164 = arith.constant 507904 : i32
    %ge3A_165 = vector.broadcast %ge3A_164 : i32 to vector<16xi32>
    %ge3A_166 = arith.cmpi sge, %get3A_163, %ge3A_165 : vector<16xi32>
    %convert_element_type3A_167 = arith.extui %ge3A_166 : vector<16xi1> to vector<16xi32>
    %mul3A_168 = arith.constant 507904 : i32
    %mul3A_169 = vector.broadcast %mul3A_168 : i32 to vector<16xi32>
    %mul3A_170 = arith.muli %convert_element_type3A_167, %mul3A_169 : vector<16xi32>
    %sub3A_171 = arith.subi %get3A_163, %mul3A_170 : vector<16xi32>
    %swap3A_172 = arith.constant 1 : i32
    %swap3A_173 = arith.index_cast %swap3A_172 : i32 to index
    %swap3A_174 = arith.constant 16 : index
    %swap3A_175 = tpu.vector_load %arg6[%swap3A_173, %swap3A_174] {strides = array<i32>} : memref<4x128xi32, #tpu.memory_space<vmem>>, vector<16xi32>,
    tpu.vector_store %arg6[%swap3A_173, %swap3A_174], %sub3A_171 {strides = array<i32>} : memref<4x128xi32, #tpu.memory_space<vmem>>, vector<16xi32>,
    %swap3A_176 = arith.constant 144 : index
    %swap3A_177 = tpu.vector_load %arg7[%swap3A_176] {strides = array<i32>} : memref<512xi32, #tpu.memory_space<vmem>>, vector<16xi32>,
    tpu.vector_store %arg7[%swap3A_176], %convert_element_type3A_167 {strides = array<i32>} : memref<512xi32, #tpu.memory_space<vmem>>, vector<16xi32>,
    %get3A_178 = arith.constant 1 : i32
    %get3A_179 = arith.index_cast %get3A_178 : i32 to index
    %get3A_180 = arith.constant 32 : index
    %get3A_181 = tpu.vector_load %arg5[%get3A_179, %get3A_180] {strides = array<i32>} : memref<4x128xi32, #tpu.memory_space<vmem>>, vector<16xi32>,
    %ge3A_182 = arith.constant 507904 : i32
    %ge3A_183 = vector.broadcast %ge3A_182 : i32 to vector<16xi32>
    %ge3A_184 = arith.cmpi sge, %get3A_181, %ge3A_183 : vector<16xi32>
    %convert_element_type3A_185 = arith.extui %ge3A_184 : vector<16xi1> to vector<16xi32>
    %mul3A_186 = arith.constant 507904 : i32
    %mul3A_187 = vector.broadcast %mul3A_186 : i32 to vector<16xi32>
    %mul3A_188 = arith.muli %convert_element_type3A_185, %mul3A_187 : vector<16xi32>
    %sub3A_189 = arith.subi %get3A_181, %mul3A_188 : vector<16xi32>
    %swap3A_190 = arith.constant 1 : i32
    %swap3A_191 = arith.index_cast %swap3A_190 : i32 to index
    %swap3A_192 = arith.constant 32 : index
    %swap3A_193 = tpu.vector_load %arg6[%swap3A_191, %swap3A_192] {strides = array<i32>} : memref<4x128xi32, #tpu.memory_space<vmem>>, vector<16xi32>,
    tpu.vector_store %arg6[%swap3A_191, %swap3A_192], %sub3A_189 {strides = array<i32>} : memref<4x128xi32, #tpu.memory_space<vmem>>, vector<16xi32>,
    %swap3A_194 = arith.constant 160 : index
    %swap3A_195 = tpu.vector_load %arg7[%swap3A_194] {strides = array<i32>} : memref<512xi32, #tpu.memory_space<vmem>>, vector<16xi32>,
    tpu.vector_store %arg7[%swap3A_194], %convert_element_type3A_185 {strides = array<i32>} : memref<512xi32, #tpu.memory_space<vmem>>, vector<16xi32>,
    %get3A_196 = arith.constant 1 : i32
    %get3A_197 = arith.index_cast %get3A_196 : i32 to index
    %get3A_198 = arith.constant 48 : index
    %get3A_199 = tpu.vector_load %arg5[%get3A_197, %get3A_198] {strides = array<i32>} : memref<4x128xi32, #tpu.memory_space<vmem>>, vector<16xi32>,
    %ge3A_200 = arith.constant 507904 : i32
    %ge3A_201 = vector.broadcast %ge3A_200 : i32 to vector<16xi32>
    %ge3A_202 = arith.cmpi sge, %get3A_199, %ge3A_201 : vector<16xi32>
    %convert_element_type3A_203 = arith.extui %ge3A_202 : vector<16xi1> to vector<16xi32>
    %mul3A_204 = arith.constant 507904 : i32
    %mul3A_205 = vector.broadcast %mul3A_204 : i32 to vector<16xi32>
    %mul3A_206 = arith.muli %convert_element_type3A_203, %mul3A_205 : vector<16xi32>
    %sub3A_207 = arith.subi %get3A_199, %mul3A_206 : vector<16xi32>
    %swap3A_208 = arith.constant 1 : i32
    %swap3A_209 = arith.index_cast %swap3A_208 : i32 to index
    %swap3A_210 = arith.constant 48 : index
    %swap3A_211 = tpu.vector_load %arg6[%swap3A_209, %swap3A_210] {strides = array<i32>} : memref<4x128xi32, #tpu.memory_space<vmem>>, vector<16xi32>,
    tpu.vector_store %arg6[%swap3A_209, %swap3A_210], %sub3A_207 {strides = array<i32>} : memref<4x128xi32, #tpu.memory_space<vmem>>, vector<16xi32>,
    %swap3A_212 = arith.constant 176 : index
    %swap3A_213 = tpu.vector_load %arg7[%swap3A_212] {strides = array<i32>} : memref<512xi32, #tpu.memory_space<vmem>>, vector<16xi32>,
    tpu.vector_store %arg7[%swap3A_212], %convert_element_type3A_203 {strides = array<i32>} : memref<512xi32, #tpu.memory_space<vmem>>, vector<16xi32>,
    %get3A_214 = arith.constant 1 : i32
    %get3A_215 = arith.index_cast %get3A_214 : i32 to index
    %get3A_216 = arith.constant 64 : index
    %get3A_217 = tpu.vector_load %arg5[%get3A_215, %get3A_216] {strides = array<i32>} : memref<4x128xi32, #tpu.memory_space<vmem>>, vector<16xi32>,
    %ge3A_218 = arith.constant 507904 : i32
    %ge3A_219 = vector.broadcast %ge3A_218 : i32 to vector<16xi32>
    %ge3A_220 = arith.cmpi sge, %get3A_217, %ge3A_219 : vector<16xi32>
    %convert_element_type3A_221 = arith.extui %ge3A_220 : vector<16xi1> to vector<16xi32>
    %mul3A_222 = arith.constant 507904 : i32
    %mul3A_223 = vector.broadcast %mul3A_222 : i32 to vector<16xi32>
    %mul3A_224 = arith.muli %convert_element_type3A_221, %mul3A_223 : vector<16xi32>
    %sub3A_225 = arith.subi %get3A_217, %mul3A_224 : vector<16xi32>
    %swap3A_226 = arith.constant 1 : i32
    %swap3A_227 = arith.index_cast %swap3A_226 : i32 to index
    %swap3A_228 = arith.constant 64 : index
    %swap3A_229 = tpu.vector_load %arg6[%swap3A_227, %swap3A_228] {strides = array<i32>} : memref<4x128xi32, #tpu.memory_space<vmem>>, vector<16xi32>,
    tpu.vector_store %arg6[%swap3A_227, %swap3A_228], %sub3A_225 {strides = array<i32>} : memref<4x128xi32, #tpu.memory_space<vmem>>, vector<16xi32>,
    %swap3A_230 = arith.constant 192 : index
    %swap3A_231 = tpu.vector_load %arg7[%swap3A_230] {strides = array<i32>} : memref<512xi32, #tpu.memory_space<vmem>>, vector<16xi32>,
    tpu.vector_store %arg7[%swap3A_230], %convert_element_type3A_221 {strides = array<i32>} : memref<512xi32, #tpu.memory_space<vmem>>, vector<16xi32>,
    %get3A_232 = arith.constant 1 : i32
    %get3A_233 = arith.index_cast %get3A_232 : i32 to index
    %get3A_234 = arith.constant 80 : index
    %get3A_235 = tpu.vector_load %arg5[%get3A_233, %get3A_234] {strides = array<i32>} : memref<4x128xi32, #tpu.memory_space<vmem>>, vector<16xi32>,
    %ge3A_236 = arith.constant 507904 : i32
    %ge3A_237 = vector.broadcast %ge3A_236 : i32 to vector<16xi32>
    %ge3A_238 = arith.cmpi sge, %get3A_235, %ge3A_237 : vector<16xi32>
    %convert_element_type3A_239 = arith.extui %ge3A_238 : vector<16xi1> to vector<16xi32>
    %mul3A_240 = arith.constant 507904 : i32
    %mul3A_241 = vector.broadcast %mul3A_240 : i32 to vector<16xi32>
    %mul3A_242 = arith.muli %convert_element_type3A_239, %mul3A_241 : vector<16xi32>
    %sub3A_243 = arith.subi %get3A_235, %mul3A_242 : vector<16xi32>
    %swap3A_244 = arith.constant 1 : i32
    %swap3A_245 = arith.index_cast %swap3A_244 : i32 to index
    %swap3A_246 = arith.constant 80 : index
    %swap3A_247 = tpu.vector_load %arg6[%swap3A_245, %swap3A_246] {strides = array<i32>} : memref<4x128xi32, #tpu.memory_space<vmem>>, vector<16xi32>,
    tpu.vector_store %arg6[%swap3A_245, %swap3A_246], %sub3A_243 {strides = array<i32>} : memref<4x128xi32, #tpu.memory_space<vmem>>, vector<16xi32>,
    %swap3A_248 = arith.constant 208 : index
    %swap3A_249 = tpu.vector_load %arg7[%swap3A_248] {strides = array<i32>} : memref<512xi32, #tpu.memory_space<vmem>>, vector<16xi32>,
    tpu.vector_store %arg7[%swap3A_248], %convert_element_type3A_239 {strides = array<i32>} : memref<512xi32, #tpu.memory_space<vmem>>, vector<16xi32>,
    %get3A_250 = arith.constant 1 : i32
    %get3A_251 = arith.index_cast %get3A_250 : i32 to index
    %get3A_252 = arith.constant 96 : index
    %get3A_253 = tpu.vector_load %arg5[%get3A_251, %get3A_252] {strides = array<i32>} : memref<4x128xi32, #tpu.memory_space<vmem>>, vector<16xi32>,
    %ge3A_254 = arith.constant 507904 : i32
    %ge3A_255 = vector.broadcast %ge3A_254 : i32 to vector<16xi32>
    %ge3A_256 = arith.cmpi sge, %get3A_253, %ge3A_255 : vector<16xi32>
    %convert_element_type3A_257 = arith.extui %ge3A_256 : vector<16xi1> to vector<16xi32>
    %mul3A_258 = arith.constant 507904 : i32
    %mul3A_259 = vector.broadcast %mul3A_258 : i32 to vector<16xi32>
    %mul3A_260 = arith.muli %convert_element_type3A_257, %mul3A_259 : vector<16xi32>
    %sub3A_261 = arith.subi %get3A_253, %mul3A_260 : vector<16xi32>
    %swap3A_262 = arith.constant 1 : i32
    %swap3A_263 = arith.index_cast %swap3A_262 : i32 to index
    %swap3A_264 = arith.constant 96 : index
    %swap3A_265 = tpu.vector_load %arg6[%swap3A_263, %swap3A_264] {strides = array<i32>} : memref<4x128xi32, #tpu.memory_space<vmem>>, vector<16xi32>,
    tpu.vector_store %arg6[%swap3A_263, %swap3A_264], %sub3A_261 {strides = array<i32>} : memref<4x128xi32, #tpu.memory_space<vmem>>, vector<16xi32>,
    %swap3A_266 = arith.constant 224 : index
    %swap3A_267 = tpu.vector_load %arg7[%swap3A_266] {strides = array<i32>} : memref<512xi32, #tpu.memory_space<vmem>>, vector<16xi32>,
    tpu.vector_store %arg7[%swap3A_266], %convert_element_type3A_257 {strides = array<i32>} : memref<512xi32, #tpu.memory_space<vmem>>, vector<16xi32>,
    %get3A_268 = arith.constant 1 : i32
    %get3A_269 = arith.index_cast %get3A_268 : i32 to index
    %get3A_270 = arith.constant 112 : index
    %get3A_271 = tpu.vector_load %arg5[%get3A_269, %get3A_270] {strides = array<i32>} : memref<4x128xi32, #tpu.memory_space<vmem>>, vector<16xi32>,
    %ge3A_272 = arith.constant 507904 : i32
    %ge3A_273 = vector.broadcast %ge3A_272 : i32 to vector<16xi32>
    %ge3A_274 = arith.cmpi sge, %get3A_271, %ge3A_273 : vector<16xi32>
    %convert_element_type3A_275 = arith.extui %ge3A_274 : vector<16xi1> to vector<16xi32>
    %mul3A_276 = arith.constant 507904 : i32
    %mul3A_277 = vector.broadcast %mul3A_276 : i32 to vector<16xi32>
    %mul3A_278 = arith.muli %convert_element_type3A_275, %mul3A_277 : vector<16xi32>
    %sub3A_279 = arith.subi %get3A_271, %mul3A_278 : vector<16xi32>
    %swap3A_280 = arith.constant 1 : i32
    %swap3A_281 = arith.index_cast %swap3A_280 : i32 to index
    %swap3A_282 = arith.constant 112 : index
    %swap3A_283 = tpu.vector_load %arg6[%swap3A_281, %swap3A_282] {strides = array<i32>} : memref<4x128xi32, #tpu.memory_space<vmem>>, vector<16xi32>,
    tpu.vector_store %arg6[%swap3A_281, %swap3A_282], %sub3A_279 {strides = array<i32>} : memref<4x128xi32, #tpu.memory_space<vmem>>, vector<16xi32>,
    %swap3A_284 = arith.constant 240 : index
    %swap3A_285 = tpu.vector_load %arg7[%swap3A_284] {strides = array<i32>} : memref<512xi32, #tpu.memory_space<vmem>>, vector<16xi32>,
    tpu.vector_store %arg7[%swap3A_284], %convert_element_type3A_275 {strides = array<i32>} : memref<512xi32, #tpu.memory_space<vmem>>, vector<16xi32>,
    %get3A_286 = arith.constant 2 : i32
    %get3A_287 = arith.index_cast %get3A_286 : i32 to index
    %get3A_288 = arith.constant 0 : index
    %get3A_289 = tpu.vector_load %arg5[%get3A_287, %get3A_288] {strides = array<i32>} : memref<4x128xi32, #tpu.memory_space<vmem>>, vector<16xi32>,
    %ge3A_290 = arith.constant 507904 : i32
    %ge3A_291 = vector.broadcast %ge3A_290 : i32 to vector<16xi32>
    %ge3A_292 = arith.cmpi sge, %get3A_289, %ge3A_291 : vector<16xi32>
    %convert_element_type3A_293 = arith.extui %ge3A_292 : vector<16xi1> to vector<16xi32>
    %mul3A_294 = arith.constant 507904 : i32
    %mul3A_295 = vector.broadcast %mul3A_294 : i32 to vector<16xi32>
    %mul3A_296 = arith.muli %convert_element_type3A_293, %mul3A_295 : vector<16xi32>
    %sub3A_297 = arith.subi %get3A_289, %mul3A_296 : vector<16xi32>
    %swap3A_298 = arith.constant 2 : i32
    %swap3A_299 = arith.index_cast %swap3A_298 : i32 to index
    %swap3A_300 = arith.constant 0 : index
    %swap3A_301 = tpu.vector_load %arg6[%swap3A_299, %swap3A_300] {strides = array<i32>} : memref<4x128xi32, #tpu.memory_space<vmem>>, vector<16xi32>,
    tpu.vector_store %arg6[%swap3A_299, %swap3A_300], %sub3A_297 {strides = array<i32>} : memref<4x128xi32, #tpu.memory_space<vmem>>, vector<16xi32>,
    %swap3A_302 = arith.constant 256 : index
    %swap3A_303 = tpu.vector_load %arg7[%swap3A_302] {strides = array<i32>} : memref<512xi32, #tpu.memory_space<vmem>>, vector<16xi32>,
    tpu.vector_store %arg7[%swap3A_302], %convert_element_type3A_293 {strides = array<i32>} : memref<512xi32, #tpu.memory_space<vmem>>, vector<16xi32>,
    %get3A_304 = arith.constant 2 : i32
    %get3A_305 = arith.index_cast %get3A_304 : i32 to index
    %get3A_306 = arith.constant 16 : index
    %get3A_307 = tpu.vector_load %arg5[%get3A_305, %get3A_306] {strides = array<i32>} : memref<4x128xi32, #tpu.memory_space<vmem>>, vector<16xi32>,
    %ge3A_308 = arith.constant 507904 : i32
    %ge3A_309 = vector.broadcast %ge3A_308 : i32 to vector<16xi32>
    %ge3A_310 = arith.cmpi sge, %get3A_307, %ge3A_309 : vector<16xi32>
    %convert_element_type3A_311 = arith.extui %ge3A_310 : vector<16xi1> to vector<16xi32>
    %mul3A_312 = arith.constant 507904 : i32
    %mul3A_313 = vector.broadcast %mul3A_312 : i32 to vector<16xi32>
    %mul3A_314 = arith.muli %convert_element_type3A_311, %mul3A_313 : vector<16xi32>
    %sub3A_315 = arith.subi %get3A_307, %mul3A_314 : vector<16xi32>
    %swap3A_316 = arith.constant 2 : i32
    %swap3A_317 = arith.index_cast %swap3A_316 : i32 to index
    %swap3A_318 = arith.constant 16 : index
    %swap3A_319 = tpu.vector_load %arg6[%swap3A_317, %swap3A_318] {strides = array<i32>} : memref<4x128xi32, #tpu.memory_space<vmem>>, vector<16xi32>,
    tpu.vector_store %arg6[%swap3A_317, %swap3A_318], %sub3A_315 {strides = array<i32>} : memref<4x128xi32, #tpu.memory_space<vmem>>, vector<16xi32>,
    %swap3A_320 = arith.constant 272 : index
    %swap3A_321 = tpu.vector_load %arg7[%swap3A_320] {strides = array<i32>} : memref<512xi32, #tpu.memory_space<vmem>>, vector<16xi32>,
    tpu.vector_store %arg7[%swap3A_320], %convert_element_type3A_311 {strides = array<i32>} : memref<512xi32, #tpu.memory_space<vmem>>, vector<16xi32>,
    %get3A_322 = arith.constant 2 : i32
    %get3A_323 = arith.index_cast %get3A_322 : i32 to index
    %get3A_324 = arith.constant 32 : index
    %get3A_325 = tpu.vector_load %arg5[%get3A_323, %get3A_324] {strides = array<i32>} : memref<4x128xi32, #tpu.memory_space<vmem>>, vector<16xi32>,
    %ge3A_326 = arith.constant 507904 : i32
    %ge3A_327 = vector.broadcast %ge3A_326 : i32 to vector<16xi32>
    %ge3A_328 = arith.cmpi sge, %get3A_325, %ge3A_327 : vector<16xi32>
    %convert_element_type3A_329 = arith.extui %ge3A_328 : vector<16xi1> to vector<16xi32>
    %mul3A_330 = arith.constant 507904 : i32
    %mul3A_331 = vector.broadcast %mul3A_330 : i32 to vector<16xi32>
    %mul3A_332 = arith.muli %convert_element_type3A_329, %mul3A_331 : vector<16xi32>
    %sub3A_333 = arith.subi %get3A_325, %mul3A_332 : vector<16xi32>
    %swap3A_334 = arith.constant 2 : i32
    %swap3A_335 = arith.index_cast %swap3A_334 : i32 to index
    %swap3A_336 = arith.constant 32 : index
    %swap3A_337 = tpu.vector_load %arg6[%swap3A_335, %swap3A_336] {strides = array<i32>} : memref<4x128xi32, #tpu.memory_space<vmem>>, vector<16xi32>,
    tpu.vector_store %arg6[%swap3A_335, %swap3A_336], %sub3A_333 {strides = array<i32>} : memref<4x128xi32, #tpu.memory_space<vmem>>, vector<16xi32>,
    %swap3A_338 = arith.constant 288 : index
    %swap3A_339 = tpu.vector_load %arg7[%swap3A_338] {strides = array<i32>} : memref<512xi32, #tpu.memory_space<vmem>>, vector<16xi32>,
    tpu.vector_store %arg7[%swap3A_338], %convert_element_type3A_329 {strides = array<i32>} : memref<512xi32, #tpu.memory_space<vmem>>, vector<16xi32>,
    %get3A_340 = arith.constant 2 : i32
    %get3A_341 = arith.index_cast %get3A_340 : i32 to index
    %get3A_342 = arith.constant 48 : index
    %get3A_343 = tpu.vector_load %arg5[%get3A_341, %get3A_342] {strides = array<i32>} : memref<4x128xi32, #tpu.memory_space<vmem>>, vector<16xi32>,
    %ge3A_344 = arith.constant 507904 : i32
    %ge3A_345 = vector.broadcast %ge3A_344 : i32 to vector<16xi32>
    %ge3A_346 = arith.cmpi sge, %get3A_343, %ge3A_345 : vector<16xi32>
    %convert_element_type3A_347 = arith.extui %ge3A_346 : vector<16xi1> to vector<16xi32>
    %mul3A_348 = arith.constant 507904 : i32
    %mul3A_349 = vector.broadcast %mul3A_348 : i32 to vector<16xi32>
    %mul3A_350 = arith.muli %convert_element_type3A_347, %mul3A_349 : vector<16xi32>
    %sub3A_351 = arith.subi %get3A_343, %mul3A_350 : vector<16xi32>
    %swap3A_352 = arith.constant 2 : i32
    %swap3A_353 = arith.index_cast %swap3A_352 : i32 to index
    %swap3A_354 = arith.constant 48 : index
    %swap3A_355 = tpu.vector_load %arg6[%swap3A_353, %swap3A_354] {strides = array<i32>} : memref<4x128xi32, #tpu.memory_space<vmem>>, vector<16xi32>,
    tpu.vector_store %arg6[%swap3A_353, %swap3A_354], %sub3A_351 {strides = array<i32>} : memref<4x128xi32, #tpu.memory_space<vmem>>, vector<16xi32>,
    %swap3A_356 = arith.constant 304 : index
    %swap3A_357 = tpu.vector_load %arg7[%swap3A_356] {strides = array<i32>} : memref<512xi32, #tpu.memory_space<vmem>>, vector<16xi32>,
    tpu.vector_store %arg7[%swap3A_356], %convert_element_type3A_347 {strides = array<i32>} : memref<512xi32, #tpu.memory_space<vmem>>, vector<16xi32>,
    %get3A_358 = arith.constant 2 : i32
    %get3A_359 = arith.index_cast %get3A_358 : i32 to index
    %get3A_360 = arith.constant 64 : index
    %get3A_361 = tpu.vector_load %arg5[%get3A_359, %get3A_360] {strides = array<i32>} : memref<4x128xi32, #tpu.memory_space<vmem>>, vector<16xi32>,
    %ge3A_362 = arith.constant 507904 : i32
    %ge3A_363 = vector.broadcast %ge3A_362 : i32 to vector<16xi32>
    %ge3A_364 = arith.cmpi sge, %get3A_361, %ge3A_363 : vector<16xi32>
    %convert_element_type3A_365 = arith.extui %ge3A_364 : vector<16xi1> to vector<16xi32>
    %mul3A_366 = arith.constant 507904 : i32
    %mul3A_367 = vector.broadcast %mul3A_366 : i32 to vector<16xi32>
    %mul3A_368 = arith.muli %convert_element_type3A_365, %mul3A_367 : vector<16xi32>
    %sub3A_369 = arith.subi %get3A_361, %mul3A_368 : vector<16xi32>
    %swap3A_370 = arith.constant 2 : i32
    %swap3A_371 = arith.index_cast %swap3A_370 : i32 to index
    %swap3A_372 = arith.constant 64 : index
    %swap3A_373 = tpu.vector_load %arg6[%swap3A_371, %swap3A_372] {strides = array<i32>} : memref<4x128xi32, #tpu.memory_space<vmem>>, vector<16xi32>,
    tpu.vector_store %arg6[%swap3A_371, %swap3A_372], %sub3A_369 {strides = array<i32>} : memref<4x128xi32, #tpu.memory_space<vmem>>, vector<16xi32>,
    %swap3A_374 = arith.constant 320 : index
    %swap3A_375 = tpu.vector_load %arg7[%swap3A_374] {strides = array<i32>} : memref<512xi32, #tpu.memory_space<vmem>>, vector<16xi32>,
    tpu.vector_store %arg7[%swap3A_374], %convert_element_type3A_365 {strides = array<i32>} : memref<512xi32, #tpu.memory_space<vmem>>, vector<16xi32>,
    %get3A_376 = arith.constant 2 : i32
    %get3A_377 = arith.index_cast %get3A_376 : i32 to index
    %get3A_378 = arith.constant 80 : index
    %get3A_379 = tpu.vector_load %arg5[%get3A_377, %get3A_378] {strides = array<i32>} : memref<4x128xi32, #tpu.memory_space<vmem>>, vector<16xi32>,
    %ge3A_380 = arith.constant 507904 : i32
    %ge3A_381 = vector.broadcast %ge3A_380 : i32 to vector<16xi32>
    %ge3A_382 = arith.cmpi sge, %get3A_379, %ge3A_381 : vector<16xi32>
    %convert_element_type3A_383 = arith.extui %ge3A_382 : vector<16xi1> to vector<16xi32>
    %mul3A_384 = arith.constant 507904 : i32
    %mul3A_385 = vector.broadcast %mul3A_384 : i32 to vector<16xi32>
    %mul3A_386 = arith.muli %convert_element_type3A_383, %mul3A_385 : vector<16xi32>
    %sub3A_387 = arith.subi %get3A_379, %mul3A_386 : vector<16xi32>
    %swap3A_388 = arith.constant 2 : i32
    %swap3A_389 = arith.index_cast %swap3A_388 : i32 to index
    %swap3A_390 = arith.constant 80 : index
    %swap3A_391 = tpu.vector_load %arg6[%swap3A_389, %swap3A_390] {strides = array<i32>} : memref<4x128xi32, #tpu.memory_space<vmem>>, vector<16xi32>,
    tpu.vector_store %arg6[%swap3A_389, %swap3A_390], %sub3A_387 {strides = array<i32>} : memref<4x128xi32, #tpu.memory_space<vmem>>, vector<16xi32>,
    %swap3A_392 = arith.constant 336 : index
    %swap3A_393 = tpu.vector_load %arg7[%swap3A_392] {strides = array<i32>} : memref<512xi32, #tpu.memory_space<vmem>>, vector<16xi32>,
    tpu.vector_store %arg7[%swap3A_392], %convert_element_type3A_383 {strides = array<i32>} : memref<512xi32, #tpu.memory_space<vmem>>, vector<16xi32>,
    %get3A_394 = arith.constant 2 : i32
    %get3A_395 = arith.index_cast %get3A_394 : i32 to index
    %get3A_396 = arith.constant 96 : index
    %get3A_397 = tpu.vector_load %arg5[%get3A_395, %get3A_396] {strides = array<i32>} : memref<4x128xi32, #tpu.memory_space<vmem>>, vector<16xi32>,
    %ge3A_398 = arith.constant 507904 : i32
    %ge3A_399 = vector.broadcast %ge3A_398 : i32 to vector<16xi32>
    %ge3A_400 = arith.cmpi sge, %get3A_397, %ge3A_399 : vector<16xi32>
    %convert_element_type3A_401 = arith.extui %ge3A_400 : vector<16xi1> to vector<16xi32>
    %mul3A_402 = arith.constant 507904 : i32
    %mul3A_403 = vector.broadcast %mul3A_402 : i32 to vector<16xi32>
    %mul3A_404 = arith.muli %convert_element_type3A_401, %mul3A_403 : vector<16xi32>
    %sub3A_405 = arith.subi %get3A_397, %mul3A_404 : vector<16xi32>
    %swap3A_406 = arith.constant 2 : i32
    %swap3A_407 = arith.index_cast %swap3A_406 : i32 to index
    %swap3A_408 = arith.constant 96 : index
    %swap3A_409 = tpu.vector_load %arg6[%swap3A_407, %swap3A_408] {strides = array<i32>} : memref<4x128xi32, #tpu.memory_space<vmem>>, vector<16xi32>,
    tpu.vector_store %arg6[%swap3A_407, %swap3A_408], %sub3A_405 {strides = array<i32>} : memref<4x128xi32, #tpu.memory_space<vmem>>, vector<16xi32>,
    %swap3A_410 = arith.constant 352 : index
    %swap3A_411 = tpu.vector_load %arg7[%swap3A_410] {strides = array<i32>} : memref<512xi32, #tpu.memory_space<vmem>>, vector<16xi32>,
    tpu.vector_store %arg7[%swap3A_410], %convert_element_type3A_401 {strides = array<i32>} : memref<512xi32, #tpu.memory_space<vmem>>, vector<16xi32>,
    %get3A_412 = arith.constant 2 : i32
    %get3A_413 = arith.index_cast %get3A_412 : i32 to index
    %get3A_414 = arith.constant 112 : index
    %get3A_415 = tpu.vector_load %arg5[%get3A_413, %get3A_414] {strides = array<i32>} : memref<4x128xi32, #tpu.memory_space<vmem>>, vector<16xi32>,
    %ge3A_416 = arith.constant 507904 : i32
    %ge3A_417 = vector.broadcast %ge3A_416 : i32 to vector<16xi32>
    %ge3A_418 = arith.cmpi sge, %get3A_415, %ge3A_417 : vector<16xi32>
    %convert_element_type3A_419 = arith.extui %ge3A_418 : vector<16xi1> to vector<16xi32>
    %mul3A_420 = arith.constant 507904 : i32
    %mul3A_421 = vector.broadcast %mul3A_420 : i32 to vector<16xi32>
    %mul3A_422 = arith.muli %convert_element_type3A_419, %mul3A_421 : vector<16xi32>
    %sub3A_423 = arith.subi %get3A_415, %mul3A_422 : vector<16xi32>
    %swap3A_424 = arith.constant 2 : i32
    %swap3A_425 = arith.index_cast %swap3A_424 : i32 to index
    %swap3A_426 = arith.constant 112 : index
    %swap3A_427 = tpu.vector_load %arg6[%swap3A_425, %swap3A_426] {strides = array<i32>} : memref<4x128xi32, #tpu.memory_space<vmem>>, vector<16xi32>,
    tpu.vector_store %arg6[%swap3A_425, %swap3A_426], %sub3A_423 {strides = array<i32>} : memref<4x128xi32, #tpu.memory_space<vmem>>, vector<16xi32>,
    %swap3A_428 = arith.constant 368 : index
    %swap3A_429 = tpu.vector_load %arg7[%swap3A_428] {strides = array<i32>} : memref<512xi32, #tpu.memory_space<vmem>>, vector<16xi32>,
    tpu.vector_store %arg7[%swap3A_428], %convert_element_type3A_419 {strides = array<i32>} : memref<512xi32, #tpu.memory_space<vmem>>, vector<16xi32>,
    %get3A_430 = arith.constant 3 : i32
    %get3A_431 = arith.index_cast %get3A_430 : i32 to index
    %get3A_432 = arith.constant 0 : index
    %get3A_433 = tpu.vector_load %arg5[%get3A_431, %get3A_432] {strides = array<i32>} : memref<4x128xi32, #tpu.memory_space<vmem>>, vector<16xi32>,
    %ge3A_434 = arith.constant 507904 : i32
    %ge3A_435 = vector.broadcast %ge3A_434 : i32 to vector<16xi32>
    %ge3A_436 = arith.cmpi sge, %get3A_433, %ge3A_435 : vector<16xi32>
    %convert_element_type3A_437 = arith.extui %ge3A_436 : vector<16xi1> to vector<16xi32>
    %mul3A_438 = arith.constant 507904 : i32
    %mul3A_439 = vector.broadcast %mul3A_438 : i32 to vector<16xi32>
    %mul3A_440 = arith.muli %convert_element_type3A_437, %mul3A_439 : vector<16xi32>
    %sub3A_441 = arith.subi %get3A_433, %mul3A_440 : vector<16xi32>
    %swap3A_442 = arith.constant 3 : i32
    %swap3A_443 = arith.index_cast %swap3A_442 : i32 to index
    %swap3A_444 = arith.constant 0 : index
    %swap3A_445 = tpu.vector_load %arg6[%swap3A_443, %swap3A_444] {strides = array<i32>} : memref<4x128xi32, #tpu.memory_space<vmem>>, vector<16xi32>,
    tpu.vector_store %arg6[%swap3A_443, %swap3A_444], %sub3A_441 {strides = array<i32>} : memref<4x128xi32, #tpu.memory_space<vmem>>, vector<16xi32>,
    %swap3A_446 = arith.constant 384 : index
    %swap3A_447 = tpu.vector_load %arg7[%swap3A_446] {strides = array<i32>} : memref<512xi32, #tpu.memory_space<vmem>>, vector<16xi32>,
    tpu.vector_store %arg7[%swap3A_446], %convert_element_type3A_437 {strides = array<i32>} : memref<512xi32, #tpu.memory_space<vmem>>, vector<16xi32>,
    %get3A_448 = arith.constant 3 : i32
    %get3A_449 = arith.index_cast %get3A_448 : i32 to index
    %get3A_450 = arith.constant 16 : index
    %get3A_451 = tpu.vector_load %arg5[%get3A_449, %get3A_450] {strides = array<i32>} : memref<4x128xi32, #tpu.memory_space<vmem>>, vector<16xi32>,
    %ge3A_452 = arith.constant 507904 : i32
    %ge3A_453 = vector.broadcast %ge3A_452 : i32 to vector<16xi32>
    %ge3A_454 = arith.cmpi sge, %get3A_451, %ge3A_453 : vector<16xi32>
    %convert_element_type3A_455 = arith.extui %ge3A_454 : vector<16xi1> to vector<16xi32>
    %mul3A_456 = arith.constant 507904 : i32
    %mul3A_457 = vector.broadcast %mul3A_456 : i32 to vector<16xi32>
    %mul3A_458 = arith.muli %convert_element_type3A_455, %mul3A_457 : vector<16xi32>
    %sub3A_459 = arith.subi %get3A_451, %mul3A_458 : vector<16xi32>
    %swap3A_460 = arith.constant 3 : i32
    %swap3A_461 = arith.index_cast %swap3A_460 : i32 to index
    %swap3A_462 = arith.constant 16 : index
    %swap3A_463 = tpu.vector_load %arg6[%swap3A_461, %swap3A_462] {strides = array<i32>} : memref<4x128xi32, #tpu.memory_space<vmem>>, vector<16xi32>,
    tpu.vector_store %arg6[%swap3A_461, %swap3A_462], %sub3A_459 {strides = array<i32>} : memref<4x128xi32, #tpu.memory_space<vmem>>, vector<16xi32>,
    %swap3A_464 = arith.constant 400 : index
    %swap3A_465 = tpu.vector_load %arg7[%swap3A_464] {strides = array<i32>} : memref<512xi32, #tpu.memory_space<vmem>>, vector<16xi32>,
    tpu.vector_store %arg7[%swap3A_464], %convert_element_type3A_455 {strides = array<i32>} : memref<512xi32, #tpu.memory_space<vmem>>, vector<16xi32>,
    %get3A_466 = arith.constant 3 : i32
    %get3A_467 = arith.index_cast %get3A_466 : i32 to index
    %get3A_468 = arith.constant 32 : index
    %get3A_469 = tpu.vector_load %arg5[%get3A_467, %get3A_468] {strides = array<i32>} : memref<4x128xi32, #tpu.memory_space<vmem>>, vector<16xi32>,
    %ge3A_470 = arith.constant 507904 : i32
    %ge3A_471 = vector.broadcast %ge3A_470 : i32 to vector<16xi32>
    %ge3A_472 = arith.cmpi sge, %get3A_469, %ge3A_471 : vector<16xi32>
    %convert_element_type3A_473 = arith.extui %ge3A_472 : vector<16xi1> to vector<16xi32>
    %mul3A_474 = arith.constant 507904 : i32
    %mul3A_475 = vector.broadcast %mul3A_474 : i32 to vector<16xi32>
    %mul3A_476 = arith.muli %convert_element_type3A_473, %mul3A_475 : vector<16xi32>
    %sub3A_477 = arith.subi %get3A_469, %mul3A_476 : vector<16xi32>
    %swap3A_478 = arith.constant 3 : i32
    %swap3A_479 = arith.index_cast %swap3A_478 : i32 to index
    %swap3A_480 = arith.constant 32 : index
    %swap3A_481 = tpu.vector_load %arg6[%swap3A_479, %swap3A_480] {strides = array<i32>} : memref<4x128xi32, #tpu.memory_space<vmem>>, vector<16xi32>,
    tpu.vector_store %arg6[%swap3A_479, %swap3A_480], %sub3A_477 {strides = array<i32>} : memref<4x128xi32, #tpu.memory_space<vmem>>, vector<16xi32>,
    %swap3A_482 = arith.constant 416 : index
    %swap3A_483 = tpu.vector_load %arg7[%swap3A_482] {strides = array<i32>} : memref<512xi32, #tpu.memory_space<vmem>>, vector<16xi32>,
    tpu.vector_store %arg7[%swap3A_482], %convert_element_type3A_473 {strides = array<i32>} : memref<512xi32, #tpu.memory_space<vmem>>, vector<16xi32>,
    %get3A_484 = arith.constant 3 : i32
    %get3A_485 = arith.index_cast %get3A_484 : i32 to index
    %get3A_486 = arith.constant 48 : index
    %get3A_487 = tpu.vector_load %arg5[%get3A_485, %get3A_486] {strides = array<i32>} : memref<4x128xi32, #tpu.memory_space<vmem>>, vector<16xi32>,
    %ge3A_488 = arith.constant 507904 : i32
    %ge3A_489 = vector.broadcast %ge3A_488 : i32 to vector<16xi32>
    %ge3A_490 = arith.cmpi sge, %get3A_487, %ge3A_489 : vector<16xi32>
    %convert_element_type3A_491 = arith.extui %ge3A_490 : vector<16xi1> to vector<16xi32>
    %mul3A_492 = arith.constant 507904 : i32
    %mul3A_493 = vector.broadcast %mul3A_492 : i32 to vector<16xi32>
    %mul3A_494 = arith.muli %convert_element_type3A_491, %mul3A_493 : vector<16xi32>
    %sub3A_495 = arith.subi %get3A_487, %mul3A_494 : vector<16xi32>
    %swap3A_496 = arith.constant 3 : i32
    %swap3A_497 = arith.index_cast %swap3A_496 : i32 to index
    %swap3A_498 = arith.constant 48 : index
    %swap3A_499 = tpu.vector_load %arg6[%swap3A_497, %swap3A_498] {strides = array<i32>} : memref<4x128xi32, #tpu.memory_space<vmem>>, vector<16xi32>,
    tpu.vector_store %arg6[%swap3A_497, %swap3A_498], %sub3A_495 {strides = array<i32>} : memref<4x128xi32, #tpu.memory_space<vmem>>, vector<16xi32>,
    %swap3A_500 = arith.constant 432 : index
    %swap3A_501 = tpu.vector_load %arg7[%swap3A_500] {strides = array<i32>} : memref<512xi32, #tpu.memory_space<vmem>>, vector<16xi32>,
    tpu.vector_store %arg7[%swap3A_500], %convert_element_type3A_491 {strides = array<i32>} : memref<512xi32, #tpu.memory_space<vmem>>, vector<16xi32>,
    %get3A_502 = arith.constant 3 : i32
    %get3A_503 = arith.index_cast %get3A_502 : i32 to index
    %get3A_504 = arith.constant 64 : index
    %get3A_505 = tpu.vector_load %arg5[%get3A_503, %get3A_504] {strides = array<i32>} : memref<4x128xi32, #tpu.memory_space<vmem>>, vector<16xi32>,
    %ge3A_506 = arith.constant 507904 : i32
    %ge3A_507 = vector.broadcast %ge3A_506 : i32 to vector<16xi32>
    %ge3A_508 = arith.cmpi sge, %get3A_505, %ge3A_507 : vector<16xi32>
    %convert_element_type3A_509 = arith.extui %ge3A_508 : vector<16xi1> to vector<16xi32>
    %mul3A_510 = arith.constant 507904 : i32
    %mul3A_511 = vector.broadcast %mul3A_510 : i32 to vector<16xi32>
    %mul3A_512 = arith.muli %convert_element_type3A_509, %mul3A_511 : vector<16xi32>
    %sub3A_513 = arith.subi %get3A_505, %mul3A_512 : vector<16xi32>
    %swap3A_514 = arith.constant 3 : i32
    %swap3A_515 = arith.index_cast %swap3A_514 : i32 to index
    %swap3A_516 = arith.constant 64 : index
    %swap3A_517 = tpu.vector_load %arg6[%swap3A_515, %swap3A_516] {strides = array<i32>} : memref<4x128xi32, #tpu.memory_space<vmem>>, vector<16xi32>,
    tpu.vector_store %arg6[%swap3A_515, %swap3A_516], %sub3A_513 {strides = array<i32>} : memref<4x128xi32, #tpu.memory_space<vmem>>, vector<16xi32>,
    %swap3A_518 = arith.constant 448 : index
    %swap3A_519 = tpu.vector_load %arg7[%swap3A_518] {strides = array<i32>} : memref<512xi32, #tpu.memory_space<vmem>>, vector<16xi32>,
    tpu.vector_store %arg7[%swap3A_518], %convert_element_type3A_509 {strides = array<i32>} : memref<512xi32, #tpu.memory_space<vmem>>, vector<16xi32>,
    %get3A_520 = arith.constant 3 : i32
    %get3A_521 = arith.index_cast %get3A_520 : i32 to index
    %get3A_522 = arith.constant 80 : index
    %get3A_523 = tpu.vector_load %arg5[%get3A_521, %get3A_522] {strides = array<i32>} : memref<4x128xi32, #tpu.memory_space<vmem>>, vector<16xi32>,
    %ge3A_524 = arith.constant 507904 : i32
    %ge3A_525 = vector.broadcast %ge3A_524 : i32 to vector<16xi32>
    %ge3A_526 = arith.cmpi sge, %get3A_523, %ge3A_525 : vector<16xi32>
    %convert_element_type3A_527 = arith.extui %ge3A_526 : vector<16xi1> to vector<16xi32>
    %mul3A_528 = arith.constant 507904 : i32
    %mul3A_529 = vector.broadcast %mul3A_528 : i32 to vector<16xi32>
    %mul3A_530 = arith.muli %convert_element_type3A_527, %mul3A_529 : vector<16xi32>
    %sub3A_531 = arith.subi %get3A_523, %mul3A_530 : vector<16xi32>
    %swap3A_532 = arith.constant 3 : i32
    %swap3A_533 = arith.index_cast %swap3A_532 : i32 to index
    %swap3A_534 = arith.constant 80 : index
    %swap3A_535 = tpu.vector_load %arg6[%swap3A_533, %swap3A_534] {strides = array<i32>} : memref<4x128xi32, #tpu.memory_space<vmem>>, vector<16xi32>,
    tpu.vector_store %arg6[%swap3A_533, %swap3A_534], %sub3A_531 {strides = array<i32>} : memref<4x128xi32, #tpu.memory_space<vmem>>, vector<16xi32>,
    %swap3A_536 = arith.constant 464 : index
    %swap3A_537 = tpu.vector_load %arg7[%swap3A_536] {strides = array<i32>} : memref<512xi32, #tpu.memory_space<vmem>>, vector<16xi32>,
    tpu.vector_store %arg7[%swap3A_536], %convert_element_type3A_527 {strides = array<i32>} : memref<512xi32, #tpu.memory_space<vmem>>, vector<16xi32>,
    %get3A_538 = arith.constant 3 : i32
    %get3A_539 = arith.index_cast %get3A_538 : i32 to index
    %get3A_540 = arith.constant 96 : index
    %get3A_541 = tpu.vector_load %arg5[%get3A_539, %get3A_540] {strides = array<i32>} : memref<4x128xi32, #tpu.memory_space<vmem>>, vector<16xi32>,
    %ge3A_542 = arith.constant 507904 : i32
    %ge3A_543 = vector.broadcast %ge3A_542 : i32 to vector<16xi32>
    %ge3A_544 = arith.cmpi sge, %get3A_541, %ge3A_543 : vector<16xi32>
    %convert_element_type3A_545 = arith.extui %ge3A_544 : vector<16xi1> to vector<16xi32>
    %mul3A_546 = arith.constant 507904 : i32
    %mul3A_547 = vector.broadcast %mul3A_546 : i32 to vector<16xi32>
    %mul3A_548 = arith.muli %convert_element_type3A_545, %mul3A_547 : vector<16xi32>
    %sub3A_549 = arith.subi %get3A_541, %mul3A_548 : vector<16xi32>
    %swap3A_550 = arith.constant 3 : i32
    %swap3A_551 = arith.index_cast %swap3A_550 : i32 to index
    %swap3A_552 = arith.constant 96 : index
    %swap3A_553 = tpu.vector_load %arg6[%swap3A_551, %swap3A_552] {strides = array<i32>} : memref<4x128xi32, #tpu.memory_space<vmem>>, vector<16xi32>,
    tpu.vector_store %arg6[%swap3A_551, %swap3A_552], %sub3A_549 {strides = array<i32>} : memref<4x128xi32, #tpu.memory_space<vmem>>, vector<16xi32>,
    %swap3A_554 = arith.constant 480 : index
    %swap3A_555 = tpu.vector_load %arg7[%swap3A_554] {strides = array<i32>} : memref<512xi32, #tpu.memory_space<vmem>>, vector<16xi32>,
    tpu.vector_store %arg7[%swap3A_554], %convert_element_type3A_545 {strides = array<i32>} : memref<512xi32, #tpu.memory_space<vmem>>, vector<16xi32>,
    %get3A_556 = arith.constant 3 : i32
    %get3A_557 = arith.index_cast %get3A_556 : i32 to index
    %get3A_558 = arith.constant 112 : index
    %get3A_559 = tpu.vector_load %arg5[%get3A_557, %get3A_558] {strides = array<i32>} : memref<4x128xi32, #tpu.memory_space<vmem>>, vector<16xi32>,
    %ge3A_560 = arith.constant 507904 : i32
    %ge3A_561 = vector.broadcast %ge3A_560 : i32 to vector<16xi32>
    %ge3A_562 = arith.cmpi sge, %get3A_559, %ge3A_561 : vector<16xi32>
    %convert_element_type3A_563 = arith.extui %ge3A_562 : vector<16xi1> to vector<16xi32>
    %mul3A_564 = arith.constant 507904 : i32
    %mul3A_565 = vector.broadcast %mul3A_564 : i32 to vector<16xi32>
    %mul3A_566 = arith.muli %convert_element_type3A_563, %mul3A_565 : vector<16xi32>
    %sub3A_567 = arith.subi %get3A_559, %mul3A_566 : vector<16xi32>
    %swap3A_568 = arith.constant 3 : i32
    %swap3A_569 = arith.index_cast %swap3A_568 : i32 to index
    %swap3A_570 = arith.constant 112 : index
    %swap3A_571 = tpu.vector_load %arg6[%swap3A_569, %swap3A_570] {strides = array<i32>} : memref<4x128xi32, #tpu.memory_space<vmem>>, vector<16xi32>,
    tpu.vector_store %arg6[%swap3A_569, %swap3A_570], %sub3A_567 {strides = array<i32>} : memref<4x128xi32, #tpu.memory_space<vmem>>, vector<16xi32>,
    %swap3A_572 = arith.constant 496 : index
    %swap3A_573 = tpu.vector_load %arg7[%swap3A_572] {strides = array<i32>} : memref<512xi32, #tpu.memory_space<vmem>>, vector<16xi32>,
    tpu.vector_store %arg7[%swap3A_572], %convert_element_type3A_563 {strides = array<i32>} : memref<512xi32, #tpu.memory_space<vmem>>, vector<16xi32>,
    %dma_start3A = arith.constant 0 : i32
    %dma_start3A_574 = arith.constant 0 : i32
    %dma_start3A_575 = arith.constant 0 : i32
    %dma_start3A_576 = tpu.memref_slice %arg8[%dma_start3A_574, %dma_start3A_575] : memref<512x128xf32, #tpu.memory_space<vmem>> -> memref<128x128xf32, #tpu.memory_space<vmem>>
    %dma_start3A_577 = arith.constant 0 : i32
    %dma_start3A_578 = tpu.memref_slice %arg6[%dma_start3A, %dma_start3A_577] : memref<4x128xi32, #tpu.memory_space<vmem>> -> memref<1x128xi32, #tpu.memory_space<vmem>>
    %dma_start3A_579 = tpu.memref_squeeze %dma_start3A_578 : memref<1x128xi32, #tpu.memory_space<vmem>> -> memref<128xi32, #tpu.memory_space<vmem>>
    %dma_start3A_580 = arith.constant 0 : i32
    %dma_start3A_581 = arith.constant 0 : i32
    %dma_start3A_582 = tpu.memref_slice %arg2[%dma_start3A_580, %dma_start3A_581] : memref<507904x128xf32, #tpu.memory_space<hbm>> -> memref<507904x128xf32, #tpu.memory_space<hbm>>
    tpu.enqueue_indirect_dma source(%dma_start3A_582 : memref<507904x128xf32, #tpu.memory_space<hbm>>) target(%dma_start3A_576 : memref<128x128xf32, #tpu.memory_space<vmem>>) offsets(%dma_start3A_579 : memref<128xi32, #tpu.memory_space<vmem>>) semaphore(%arg9 : memref<!tpu.dma_semaphore, #tpu.memory_space<semaphore_mem>>)
    %dma_start3A_583 = arith.constant 1 : i32
    %dma_start3A_584 = arith.constant 128 : i32
    %dma_start3A_585 = arith.constant 0 : i32
    %dma_start3A_586 = tpu.memref_slice %arg8[%dma_start3A_584, %dma_start3A_585] : memref<512x128xf32, #tpu.memory_space<vmem>> -> memref<128x128xf32, #tpu.memory_space<vmem>>
    %dma_start3A_587 = arith.constant 0 : i32
    %dma_start3A_588 = tpu.memref_slice %arg6[%dma_start3A_583, %dma_start3A_587] : memref<4x128xi32, #tpu.memory_space<vmem>> -> memref<1x128xi32, #tpu.memory_space<vmem>>
    %dma_start3A_589 = tpu.memref_squeeze %dma_start3A_588 : memref<1x128xi32, #tpu.memory_space<vmem>> -> memref<128xi32, #tpu.memory_space<vmem>>
    %dma_start3A_590 = arith.constant 0 : i32
    %dma_start3A_591 = arith.constant 0 : i32
    %dma_start3A_592 = tpu.memref_slice %arg2[%dma_start3A_590, %dma_start3A_591] : memref<507904x128xf32, #tpu.memory_space<hbm>> -> memref<507904x128xf32, #tpu.memory_space<hbm>>
    tpu.enqueue_indirect_dma source(%dma_start3A_592 : memref<507904x128xf32, #tpu.memory_space<hbm>>) target(%dma_start3A_586 : memref<128x128xf32, #tpu.memory_space<vmem>>) offsets(%dma_start3A_589 : memref<128xi32, #tpu.memory_space<vmem>>) semaphore(%arg10 : memref<!tpu.dma_semaphore, #tpu.memory_space<semaphore_mem>>)
    %dma_start3A_593 = arith.constant 2 : i32
    %dma_start3A_594 = arith.constant 256 : i32
    %dma_start3A_595 = arith.constant 0 : i32
    %dma_start3A_596 = tpu.memref_slice %arg8[%dma_start3A_594, %dma_start3A_595] : memref<512x128xf32, #tpu.memory_space<vmem>> -> memref<128x128xf32, #tpu.memory_space<vmem>>
    %dma_start3A_597 = arith.constant 0 : i32
    %dma_start3A_598 = tpu.memref_slice %arg6[%dma_start3A_593, %dma_start3A_597] : memref<4x128xi32, #tpu.memory_space<vmem>> -> memref<1x128xi32, #tpu.memory_space<vmem>>
    %dma_start3A_599 = tpu.memref_squeeze %dma_start3A_598 : memref<1x128xi32, #tpu.memory_space<vmem>> -> memref<128xi32, #tpu.memory_space<vmem>>
    %dma_start3A_600 = arith.constant 0 : i32
    %dma_start3A_601 = arith.constant 0 : i32
    %dma_start3A_602 = tpu.memref_slice %arg2[%dma_start3A_600, %dma_start3A_601] : memref<507904x128xf32, #tpu.memory_space<hbm>> -> memref<507904x128xf32, #tpu.memory_space<hbm>>
    tpu.enqueue_indirect_dma source(%dma_start3A_602 : memref<507904x128xf32, #tpu.memory_space<hbm>>) target(%dma_start3A_596 : memref<128x128xf32, #tpu.memory_space<vmem>>) offsets(%dma_start3A_599 : memref<128xi32, #tpu.memory_space<vmem>>) semaphore(%arg11 : memref<!tpu.dma_semaphore, #tpu.memory_space<semaphore_mem>>)
    %dma_start3A_603 = arith.constant 3 : i32
    %dma_start3A_604 = arith.constant 384 : i32
    %dma_start3A_605 = arith.constant 0 : i32
    %dma_start3A_606 = tpu.memref_slice %arg8[%dma_start3A_604, %dma_start3A_605] : memref<512x128xf32, #tpu.memory_space<vmem>> -> memref<128x128xf32, #tpu.memory_space<vmem>>
    %dma_start3A_607 = arith.constant 0 : i32
    %dma_start3A_608 = tpu.memref_slice %arg6[%dma_start3A_603, %dma_start3A_607] : memref<4x128xi32, #tpu.memory_space<vmem>> -> memref<1x128xi32, #tpu.memory_space<vmem>>
    %dma_start3A_609 = tpu.memref_squeeze %dma_start3A_608 : memref<1x128xi32, #tpu.memory_space<vmem>> -> memref<128xi32, #tpu.memory_space<vmem>>
    %dma_start3A_610 = arith.constant 0 : i32
    %dma_start3A_611 = arith.constant 0 : i32
    %dma_start3A_612 = tpu.memref_slice %arg2[%dma_start3A_610, %dma_start3A_611] : memref<507904x128xf32, #tpu.memory_space<hbm>> -> memref<507904x128xf32, #tpu.memory_space<hbm>>
    tpu.enqueue_indirect_dma source(%dma_start3A_612 : memref<507904x128xf32, #tpu.memory_space<hbm>>) target(%dma_start3A_606 : memref<128x128xf32, #tpu.memory_space<vmem>>) offsets(%dma_start3A_609 : memref<128xi32, #tpu.memory_space<vmem>>) semaphore(%arg12 : memref<!tpu.dma_semaphore, #tpu.memory_space<semaphore_mem>>)
    %dma_wait3A = arith.constant 0 : i32
    %dma_wait3A_613 = arith.constant 0 : i32
    %dma_wait3A_614 = arith.constant 0 : i32
    %dma_wait3A_615 = tpu.memref_slice %arg8[%dma_wait3A_613, %dma_wait3A_614] : memref<512x128xf32, #tpu.memory_space<vmem>> -> memref<128x128xf32, #tpu.memory_space<vmem>>
    %dma_wait3A_616 = arith.constant 0 : i32
    %dma_wait3A_617 = tpu.memref_slice %arg6[%dma_wait3A, %dma_wait3A_616] : memref<4x128xi32, #tpu.memory_space<vmem>> -> memref<1x128xi32, #tpu.memory_space<vmem>>
    %dma_wait3A_618 = tpu.memref_squeeze %dma_wait3A_617 : memref<1x128xi32, #tpu.memory_space<vmem>> -> memref<128xi32, #tpu.memory_space<vmem>>
    %dma_wait3A_619 = arith.constant 0 : i32
    %dma_wait3A_620 = arith.constant 0 : i32
    %dma_wait3A_621 = tpu.memref_slice %arg2[%dma_wait3A_619, %dma_wait3A_620] : memref<507904x128xf32, #tpu.memory_space<hbm>> -> memref<507904x128xf32, #tpu.memory_space<hbm>>
    tpu.wait_indirect_dma semaphore(%arg9 : memref<!tpu.dma_semaphore, #tpu.memory_space<semaphore_mem>>) src(%dma_wait3A_621 : memref<507904x128xf32, #tpu.memory_space<hbm>>) dst(%dma_wait3A_615 : memref<128x128xf32, #tpu.memory_space<vmem>>)
    %scan3A = arith.constant 0 : i32
    %scan3A_622 = arith.constant 0 : i32
    %scan3A_623 = arith.constant 128 : i32
    %scan3A_624 = arith.addi %scan3A_622, %scan3A_623 : i32
    %scan3A_625 = arith.constant 1 : i32
    scf.for %scan3A_675 = %scan3A_622 to %scan3A_624 step %scan3A_625  : i32 {
      %broadcast_in_dim3A = arith.constant 0 : i32
      %broadcast_in_dim3A_676 = vector.broadcast %broadcast_in_dim3A : i32 to vector<16xi32>
      %add3A_677 = vector.broadcast %scan3A_675 : i32 to vector<16xi32>
      %add3A_678 = arith.addi %broadcast_in_dim3A_676, %add3A_677 : vector<16xi32>
      %gather3A = tpu.vector_load_idx %arg7[%add3A_678] : memref<512xi32, #tpu.memory_space<vmem>>[vector<16xi32>], vector<16xi32>,
      %ne3A = arith.constant 0 : i32
      %ne3A_679 = vector.broadcast %ne3A : i32 to vector<16xi32>
      %ne3A_680 = arith.cmpi ne, %gather3A, %ne3A_679 : vector<16xi32>
      %get3A_681 = arith.index_cast %scan3A_675 : i32 to index
      %get3A_682 = arith.constant 0 : index
      %get3A_683 = tpu.vector_load %arg8[%get3A_681, %get3A_682] {strides = array<i32>} : memref<512x128xf32, #tpu.memory_space<vmem>>, vector<16xf32>,
      %get3A_684 = arith.index_cast %scan3A_675 : i32 to index
      %get3A_685 = arith.constant 64 : index
      %get3A_686 = tpu.vector_load %arg8[%get3A_684, %get3A_685] {strides = array<i32>} : memref<512x128xf32, #tpu.memory_space<vmem>>, vector<16xf32>,
      %select_n3A = arith.select %ne3A_680, %get3A_686, %get3A_683 : vector<16xi1>, vector<16xf32>
      %swap3A_687 = arith.index_cast %scan3A_675 : i32 to index
      %swap3A_688 = arith.constant 0 : index
      %swap3A_689 = tpu.vector_load %arg8[%swap3A_687, %swap3A_688] {strides = array<i32>} : memref<512x128xf32, #tpu.memory_space<vmem>>, vector<16xf32>,
      tpu.vector_store %arg8[%swap3A_687, %swap3A_688], %select_n3A {strides = array<i32>} : memref<512x128xf32, #tpu.memory_space<vmem>>, vector<16xf32>,
      %get3A_690 = arith.index_cast %scan3A_675 : i32 to index
      %get3A_691 = arith.constant 16 : index
      %get3A_692 = tpu.vector_load %arg8[%get3A_690, %get3A_691] {strides = array<i32>} : memref<512x128xf32, #tpu.memory_space<vmem>>, vector<16xf32>,
      %get3A_693 = arith.index_cast %scan3A_675 : i32 to index
      %get3A_694 = arith.constant 80 : index
      %get3A_695 = tpu.vector_load %arg8[%get3A_693, %get3A_694] {strides = array<i32>} : memref<512x128xf32, #tpu.memory_space<vmem>>, vector<16xf32>,
      %select_n3A_696 = arith.select %ne3A_680, %get3A_695, %get3A_692 : vector<16xi1>, vector<16xf32>
      %swap3A_697 = arith.index_cast %scan3A_675 : i32 to index
      %swap3A_698 = arith.constant 16 : index
      %swap3A_699 = tpu.vector_load %arg8[%swap3A_697, %swap3A_698] {strides = array<i32>} : memref<512x128xf32, #tpu.memory_space<vmem>>, vector<16xf32>,
      tpu.vector_store %arg8[%swap3A_697, %swap3A_698], %select_n3A_696 {strides = array<i32>} : memref<512x128xf32, #tpu.memory_space<vmem>>, vector<16xf32>,
      %get3A_700 = arith.index_cast %scan3A_675 : i32 to index
      %get3A_701 = arith.constant 32 : index
      %get3A_702 = tpu.vector_load %arg8[%get3A_700, %get3A_701] {strides = array<i32>} : memref<512x128xf32, #tpu.memory_space<vmem>>, vector<16xf32>,
      %get3A_703 = arith.index_cast %scan3A_675 : i32 to index
      %get3A_704 = arith.constant 96 : index
      %get3A_705 = tpu.vector_load %arg8[%get3A_703, %get3A_704] {strides = array<i32>} : memref<512x128xf32, #tpu.memory_space<vmem>>, vector<16xf32>,
      %select_n3A_706 = arith.select %ne3A_680, %get3A_705, %get3A_702 : vector<16xi1>, vector<16xf32>
      %swap3A_707 = arith.index_cast %scan3A_675 : i32 to index
      %swap3A_708 = arith.constant 32 : index
      %swap3A_709 = tpu.vector_load %arg8[%swap3A_707, %swap3A_708] {strides = array<i32>} : memref<512x128xf32, #tpu.memory_space<vmem>>, vector<16xf32>,
      tpu.vector_store %arg8[%swap3A_707, %swap3A_708], %select_n3A_706 {strides = array<i32>} : memref<512x128xf32, #tpu.memory_space<vmem>>, vector<16xf32>,
      %get3A_710 = arith.index_cast %scan3A_675 : i32 to index
      %get3A_711 = arith.constant 48 : index
      %get3A_712 = tpu.vector_load %arg8[%get3A_710, %get3A_711] {strides = array<i32>} : memref<512x128xf32, #tpu.memory_space<vmem>>, vector<16xf32>,
      %get3A_713 = arith.index_cast %scan3A_675 : i32 to index
      %get3A_714 = arith.constant 112 : index
      %get3A_715 = tpu.vector_load %arg8[%get3A_713, %get3A_714] {strides = array<i32>} : memref<512x128xf32, #tpu.memory_space<vmem>>, vector<16xf32>,
      %select_n3A_716 = arith.select %ne3A_680, %get3A_715, %get3A_712 : vector<16xi1>, vector<16xf32>
      %swap3A_717 = arith.index_cast %scan3A_675 : i32 to index
      %swap3A_718 = arith.constant 48 : index
      %swap3A_719 = tpu.vector_load %arg8[%swap3A_717, %swap3A_718] {strides = array<i32>} : memref<512x128xf32, #tpu.memory_space<vmem>>, vector<16xf32>,
      tpu.vector_store %arg8[%swap3A_717, %swap3A_718], %select_n3A_716 {strides = array<i32>} : memref<512x128xf32, #tpu.memory_space<vmem>>, vector<16xf32>,
    }
    %scan3A_626 = arith.constant 128 : i32
    %dma_wait3A_627 = arith.constant 1 : i32
    %dma_wait3A_628 = arith.constant 128 : i32
    %dma_wait3A_629 = arith.constant 0 : i32
    %dma_wait3A_630 = tpu.memref_slice %arg8[%dma_wait3A_628, %dma_wait3A_629] : memref<512x128xf32, #tpu.memory_space<vmem>> -> memref<128x128xf32, #tpu.memory_space<vmem>>
    %dma_wait3A_631 = arith.constant 0 : i32
    %dma_wait3A_632 = tpu.memref_slice %arg6[%dma_wait3A_627, %dma_wait3A_631] : memref<4x128xi32, #tpu.memory_space<vmem>> -> memref<1x128xi32, #tpu.memory_space<vmem>>
    %dma_wait3A_633 = tpu.memref_squeeze %dma_wait3A_632 : memref<1x128xi32, #tpu.memory_space<vmem>> -> memref<128xi32, #tpu.memory_space<vmem>>
    %dma_wait3A_634 = arith.constant 0 : i32
    %dma_wait3A_635 = arith.constant 0 : i32
    %dma_wait3A_636 = tpu.memref_slice %arg2[%dma_wait3A_634, %dma_wait3A_635] : memref<507904x128xf32, #tpu.memory_space<hbm>> -> memref<507904x128xf32, #tpu.memory_space<hbm>>
    tpu.wait_indirect_dma semaphore(%arg10 : memref<!tpu.dma_semaphore, #tpu.memory_space<semaphore_mem>>) src(%dma_wait3A_636 : memref<507904x128xf32, #tpu.memory_space<hbm>>) dst(%dma_wait3A_630 : memref<128x128xf32, #tpu.memory_space<vmem>>)
    %scan3A_637 = arith.constant 0 : i32
    %scan3A_638 = arith.constant 128 : i32
    %scan3A_639 = arith.constant 128 : i32
    %scan3A_640 = arith.addi %scan3A_638, %scan3A_639 : i32
    %scan3A_641 = arith.constant 1 : i32
    scf.for %scan3A_675 = %scan3A_638 to %scan3A_640 step %scan3A_641  : i32 {
      %broadcast_in_dim3A = arith.constant 0 : i32
      %broadcast_in_dim3A_676 = vector.broadcast %broadcast_in_dim3A : i32 to vector<16xi32>
      %add3A_677 = vector.broadcast %scan3A_675 : i32 to vector<16xi32>
      %add3A_678 = arith.addi %broadcast_in_dim3A_676, %add3A_677 : vector<16xi32>
      %gather3A = tpu.vector_load_idx %arg7[%add3A_678] : memref<512xi32, #tpu.memory_space<vmem>>[vector<16xi32>], vector<16xi32>,
      %ne3A = arith.constant 0 : i32
      %ne3A_679 = vector.broadcast %ne3A : i32 to vector<16xi32>
      %ne3A_680 = arith.cmpi ne, %gather3A, %ne3A_679 : vector<16xi32>
      %get3A_681 = arith.index_cast %scan3A_675 : i32 to index
      %get3A_682 = arith.constant 0 : index
      %get3A_683 = tpu.vector_load %arg8[%get3A_681, %get3A_682] {strides = array<i32>} : memref<512x128xf32, #tpu.memory_space<vmem>>, vector<16xf32>,
      %get3A_684 = arith.index_cast %scan3A_675 : i32 to index
      %get3A_685 = arith.constant 64 : index
      %get3A_686 = tpu.vector_load %arg8[%get3A_684, %get3A_685] {strides = array<i32>} : memref<512x128xf32, #tpu.memory_space<vmem>>, vector<16xf32>,
      %select_n3A = arith.select %ne3A_680, %get3A_686, %get3A_683 : vector<16xi1>, vector<16xf32>
      %swap3A_687 = arith.index_cast %scan3A_675 : i32 to index
      %swap3A_688 = arith.constant 0 : index
      %swap3A_689 = tpu.vector_load %arg8[%swap3A_687, %swap3A_688] {strides = array<i32>} : memref<512x128xf32, #tpu.memory_space<vmem>>, vector<16xf32>,
      tpu.vector_store %arg8[%swap3A_687, %swap3A_688], %select_n3A {strides = array<i32>} : memref<512x128xf32, #tpu.memory_space<vmem>>, vector<16xf32>,
      %get3A_690 = arith.index_cast %scan3A_675 : i32 to index
      %get3A_691 = arith.constant 16 : index
      %get3A_692 = tpu.vector_load %arg8[%get3A_690, %get3A_691] {strides = array<i32>} : memref<512x128xf32, #tpu.memory_space<vmem>>, vector<16xf32>,
      %get3A_693 = arith.index_cast %scan3A_675 : i32 to index
      %get3A_694 = arith.constant 80 : index
      %get3A_695 = tpu.vector_load %arg8[%get3A_693, %get3A_694] {strides = array<i32>} : memref<512x128xf32, #tpu.memory_space<vmem>>, vector<16xf32>,
      %select_n3A_696 = arith.select %ne3A_680, %get3A_695, %get3A_692 : vector<16xi1>, vector<16xf32>
      %swap3A_697 = arith.index_cast %scan3A_675 : i32 to index
      %swap3A_698 = arith.constant 16 : index
      %swap3A_699 = tpu.vector_load %arg8[%swap3A_697, %swap3A_698] {strides = array<i32>} : memref<512x128xf32, #tpu.memory_space<vmem>>, vector<16xf32>,
      tpu.vector_store %arg8[%swap3A_697, %swap3A_698], %select_n3A_696 {strides = array<i32>} : memref<512x128xf32, #tpu.memory_space<vmem>>, vector<16xf32>,
      %get3A_700 = arith.index_cast %scan3A_675 : i32 to index
      %get3A_701 = arith.constant 32 : index
      %get3A_702 = tpu.vector_load %arg8[%get3A_700, %get3A_701] {strides = array<i32>} : memref<512x128xf32, #tpu.memory_space<vmem>>, vector<16xf32>,
      %get3A_703 = arith.index_cast %scan3A_675 : i32 to index
      %get3A_704 = arith.constant 96 : index
      %get3A_705 = tpu.vector_load %arg8[%get3A_703, %get3A_704] {strides = array<i32>} : memref<512x128xf32, #tpu.memory_space<vmem>>, vector<16xf32>,
      %select_n3A_706 = arith.select %ne3A_680, %get3A_705, %get3A_702 : vector<16xi1>, vector<16xf32>
      %swap3A_707 = arith.index_cast %scan3A_675 : i32 to index
      %swap3A_708 = arith.constant 32 : index
      %swap3A_709 = tpu.vector_load %arg8[%swap3A_707, %swap3A_708] {strides = array<i32>} : memref<512x128xf32, #tpu.memory_space<vmem>>, vector<16xf32>,
      tpu.vector_store %arg8[%swap3A_707, %swap3A_708], %select_n3A_706 {strides = array<i32>} : memref<512x128xf32, #tpu.memory_space<vmem>>, vector<16xf32>,
      %get3A_710 = arith.index_cast %scan3A_675 : i32 to index
      %get3A_711 = arith.constant 48 : index
      %get3A_712 = tpu.vector_load %arg8[%get3A_710, %get3A_711] {strides = array<i32>} : memref<512x128xf32, #tpu.memory_space<vmem>>, vector<16xf32>,
      %get3A_713 = arith.index_cast %scan3A_675 : i32 to index
      %get3A_714 = arith.constant 112 : index
      %get3A_715 = tpu.vector_load %arg8[%get3A_713, %get3A_714] {strides = array<i32>} : memref<512x128xf32, #tpu.memory_space<vmem>>, vector<16xf32>,
      %select_n3A_716 = arith.select %ne3A_680, %get3A_715, %get3A_712 : vector<16xi1>, vector<16xf32>
      %swap3A_717 = arith.index_cast %scan3A_675 : i32 to index
      %swap3A_718 = arith.constant 48 : index
      %swap3A_719 = tpu.vector_load %arg8[%swap3A_717, %swap3A_718] {strides = array<i32>} : memref<512x128xf32, #tpu.memory_space<vmem>>, vector<16xf32>,
      tpu.vector_store %arg8[%swap3A_717, %swap3A_718], %select_n3A_716 {strides = array<i32>} : memref<512x128xf32, #tpu.memory_space<vmem>>, vector<16xf32>,
    }
    %scan3A_642 = arith.constant 128 : i32
    %dma_wait3A_643 = arith.constant 2 : i32
    %dma_wait3A_644 = arith.constant 256 : i32
    %dma_wait3A_645 = arith.constant 0 : i32
    %dma_wait3A_646 = tpu.memref_slice %arg8[%dma_wait3A_644, %dma_wait3A_645] : memref<512x128xf32, #tpu.memory_space<vmem>> -> memref<128x128xf32, #tpu.memory_space<vmem>>
    %dma_wait3A_647 = arith.constant 0 : i32
    %dma_wait3A_648 = tpu.memref_slice %arg6[%dma_wait3A_643, %dma_wait3A_647] : memref<4x128xi32, #tpu.memory_space<vmem>> -> memref<1x128xi32, #tpu.memory_space<vmem>>
    %dma_wait3A_649 = tpu.memref_squeeze %dma_wait3A_648 : memref<1x128xi32, #tpu.memory_space<vmem>> -> memref<128xi32, #tpu.memory_space<vmem>>
    %dma_wait3A_650 = arith.constant 0 : i32
    %dma_wait3A_651 = arith.constant 0 : i32
    %dma_wait3A_652 = tpu.memref_slice %arg2[%dma_wait3A_650, %dma_wait3A_651] : memref<507904x128xf32, #tpu.memory_space<hbm>> -> memref<507904x128xf32, #tpu.memory_space<hbm>>
    tpu.wait_indirect_dma semaphore(%arg11 : memref<!tpu.dma_semaphore, #tpu.memory_space<semaphore_mem>>) src(%dma_wait3A_652 : memref<507904x128xf32, #tpu.memory_space<hbm>>) dst(%dma_wait3A_646 : memref<128x128xf32, #tpu.memory_space<vmem>>)
    %scan3A_653 = arith.constant 0 : i32
    %scan3A_654 = arith.constant 256 : i32
    %scan3A_655 = arith.constant 128 : i32
    %scan3A_656 = arith.addi %scan3A_654, %scan3A_655 : i32
    %scan3A_657 = arith.constant 1 : i32
    scf.for %scan3A_675 = %scan3A_654 to %scan3A_656 step %scan3A_657  : i32 {
      %broadcast_in_dim3A = arith.constant 0 : i32
      %broadcast_in_dim3A_676 = vector.broadcast %broadcast_in_dim3A : i32 to vector<16xi32>
      %add3A_677 = vector.broadcast %scan3A_675 : i32 to vector<16xi32>
      %add3A_678 = arith.addi %broadcast_in_dim3A_676, %add3A_677 : vector<16xi32>
      %gather3A = tpu.vector_load_idx %arg7[%add3A_678] : memref<512xi32, #tpu.memory_space<vmem>>[vector<16xi32>], vector<16xi32>,
      %ne3A = arith.constant 0 : i32
      %ne3A_679 = vector.broadcast %ne3A : i32 to vector<16xi32>
      %ne3A_680 = arith.cmpi ne, %gather3A, %ne3A_679 : vector<16xi32>
      %get3A_681 = arith.index_cast %scan3A_675 : i32 to index
      %get3A_682 = arith.constant 0 : index
      %get3A_683 = tpu.vector_load %arg8[%get3A_681, %get3A_682] {strides = array<i32>} : memref<512x128xf32, #tpu.memory_space<vmem>>, vector<16xf32>,
      %get3A_684 = arith.index_cast %scan3A_675 : i32 to index
      %get3A_685 = arith.constant 64 : index
      %get3A_686 = tpu.vector_load %arg8[%get3A_684, %get3A_685] {strides = array<i32>} : memref<512x128xf32, #tpu.memory_space<vmem>>, vector<16xf32>,
      %select_n3A = arith.select %ne3A_680, %get3A_686, %get3A_683 : vector<16xi1>, vector<16xf32>
      %swap3A_687 = arith.index_cast %scan3A_675 : i32 to index
      %swap3A_688 = arith.constant 0 : index
      %swap3A_689 = tpu.vector_load %arg8[%swap3A_687, %swap3A_688] {strides = array<i32>} : memref<512x128xf32, #tpu.memory_space<vmem>>, vector<16xf32>,
      tpu.vector_store %arg8[%swap3A_687, %swap3A_688], %select_n3A {strides = array<i32>} : memref<512x128xf32, #tpu.memory_space<vmem>>, vector<16xf32>,
      %get3A_690 = arith.index_cast %scan3A_675 : i32 to index
      %get3A_691 = arith.constant 16 : index
      %get3A_692 = tpu.vector_load %arg8[%get3A_690, %get3A_691] {strides = array<i32>} : memref<512x128xf32, #tpu.memory_space<vmem>>, vector<16xf32>,
      %get3A_693 = arith.index_cast %scan3A_675 : i32 to index
      %get3A_694 = arith.constant 80 : index
      %get3A_695 = tpu.vector_load %arg8[%get3A_693, %get3A_694] {strides = array<i32>} : memref<512x128xf32, #tpu.memory_space<vmem>>, vector<16xf32>,
      %select_n3A_696 = arith.select %ne3A_680, %get3A_695, %get3A_692 : vector<16xi1>, vector<16xf32>
      %swap3A_697 = arith.index_cast %scan3A_675 : i32 to index
      %swap3A_698 = arith.constant 16 : index
      %swap3A_699 = tpu.vector_load %arg8[%swap3A_697, %swap3A_698] {strides = array<i32>} : memref<512x128xf32, #tpu.memory_space<vmem>>, vector<16xf32>,
      tpu.vector_store %arg8[%swap3A_697, %swap3A_698], %select_n3A_696 {strides = array<i32>} : memref<512x128xf32, #tpu.memory_space<vmem>>, vector<16xf32>,
      %get3A_700 = arith.index_cast %scan3A_675 : i32 to index
      %get3A_701 = arith.constant 32 : index
      %get3A_702 = tpu.vector_load %arg8[%get3A_700, %get3A_701] {strides = array<i32>} : memref<512x128xf32, #tpu.memory_space<vmem>>, vector<16xf32>,
      %get3A_703 = arith.index_cast %scan3A_675 : i32 to index
      %get3A_704 = arith.constant 96 : index
      %get3A_705 = tpu.vector_load %arg8[%get3A_703, %get3A_704] {strides = array<i32>} : memref<512x128xf32, #tpu.memory_space<vmem>>, vector<16xf32>,
      %select_n3A_706 = arith.select %ne3A_680, %get3A_705, %get3A_702 : vector<16xi1>, vector<16xf32>
      %swap3A_707 = arith.index_cast %scan3A_675 : i32 to index
      %swap3A_708 = arith.constant 32 : index
      %swap3A_709 = tpu.vector_load %arg8[%swap3A_707, %swap3A_708] {strides = array<i32>} : memref<512x128xf32, #tpu.memory_space<vmem>>, vector<16xf32>,
      tpu.vector_store %arg8[%swap3A_707, %swap3A_708], %select_n3A_706 {strides = array<i32>} : memref<512x128xf32, #tpu.memory_space<vmem>>, vector<16xf32>,
      %get3A_710 = arith.index_cast %scan3A_675 : i32 to index
      %get3A_711 = arith.constant 48 : index
      %get3A_712 = tpu.vector_load %arg8[%get3A_710, %get3A_711] {strides = array<i32>} : memref<512x128xf32, #tpu.memory_space<vmem>>, vector<16xf32>,
      %get3A_713 = arith.index_cast %scan3A_675 : i32 to index
      %get3A_714 = arith.constant 112 : index
      %get3A_715 = tpu.vector_load %arg8[%get3A_713, %get3A_714] {strides = array<i32>} : memref<512x128xf32, #tpu.memory_space<vmem>>, vector<16xf32>,
      %select_n3A_716 = arith.select %ne3A_680, %get3A_715, %get3A_712 : vector<16xi1>, vector<16xf32>
      %swap3A_717 = arith.index_cast %scan3A_675 : i32 to index
      %swap3A_718 = arith.constant 48 : index
      %swap3A_719 = tpu.vector_load %arg8[%swap3A_717, %swap3A_718] {strides = array<i32>} : memref<512x128xf32, #tpu.memory_space<vmem>>, vector<16xf32>,
      tpu.vector_store %arg8[%swap3A_717, %swap3A_718], %select_n3A_716 {strides = array<i32>} : memref<512x128xf32, #tpu.memory_space<vmem>>, vector<16xf32>,
    }
    %scan3A_658 = arith.constant 128 : i32
    %dma_wait3A_659 = arith.constant 3 : i32
    %dma_wait3A_660 = arith.constant 384 : i32
    %dma_wait3A_661 = arith.constant 0 : i32
    %dma_wait3A_662 = tpu.memref_slice %arg8[%dma_wait3A_660, %dma_wait3A_661] : memref<512x128xf32, #tpu.memory_space<vmem>> -> memref<128x128xf32, #tpu.memory_space<vmem>>
    %dma_wait3A_663 = arith.constant 0 : i32
    %dma_wait3A_664 = tpu.memref_slice %arg6[%dma_wait3A_659, %dma_wait3A_663] : memref<4x128xi32, #tpu.memory_space<vmem>> -> memref<1x128xi32, #tpu.memory_space<vmem>>
    %dma_wait3A_665 = tpu.memref_squeeze %dma_wait3A_664 : memref<1x128xi32, #tpu.memory_space<vmem>> -> memref<128xi32, #tpu.memory_space<vmem>>
    %dma_wait3A_666 = arith.constant 0 : i32
    %dma_wait3A_667 = arith.constant 0 : i32
    %dma_wait3A_668 = tpu.memref_slice %arg2[%dma_wait3A_666, %dma_wait3A_667] : memref<507904x128xf32, #tpu.memory_space<hbm>> -> memref<507904x128xf32, #tpu.memory_space<hbm>>
    tpu.wait_indirect_dma semaphore(%arg12 : memref<!tpu.dma_semaphore, #tpu.memory_space<semaphore_mem>>) src(%dma_wait3A_668 : memref<507904x128xf32, #tpu.memory_space<hbm>>) dst(%dma_wait3A_662 : memref<128x128xf32, #tpu.memory_space<vmem>>)
    %scan3A_669 = arith.constant 0 : i32
    %scan3A_670 = arith.constant 384 : i32
    %scan3A_671 = arith.constant 128 : i32
    %scan3A_672 = arith.addi %scan3A_670, %scan3A_671 : i32
    %scan3A_673 = arith.constant 1 : i32
    scf.for %scan3A_675 = %scan3A_670 to %scan3A_672 step %scan3A_673  : i32 {
      %broadcast_in_dim3A = arith.constant 0 : i32
      %broadcast_in_dim3A_676 = vector.broadcast %broadcast_in_dim3A : i32 to vector<16xi32>
      %add3A_677 = vector.broadcast %scan3A_675 : i32 to vector<16xi32>
      %add3A_678 = arith.addi %broadcast_in_dim3A_676, %add3A_677 : vector<16xi32>
      %gather3A = tpu.vector_load_idx %arg7[%add3A_678] : memref<512xi32, #tpu.memory_space<vmem>>[vector<16xi32>], vector<16xi32>,
      %ne3A = arith.constant 0 : i32
      %ne3A_679 = vector.broadcast %ne3A : i32 to vector<16xi32>
      %ne3A_680 = arith.cmpi ne, %gather3A, %ne3A_679 : vector<16xi32>
      %get3A_681 = arith.index_cast %scan3A_675 : i32 to index
      %get3A_682 = arith.constant 0 : index
      %get3A_683 = tpu.vector_load %arg8[%get3A_681, %get3A_682] {strides = array<i32>} : memref<512x128xf32, #tpu.memory_space<vmem>>, vector<16xf32>,
      %get3A_684 = arith.index_cast %scan3A_675 : i32 to index
      %get3A_685 = arith.constant 64 : index
      %get3A_686 = tpu.vector_load %arg8[%get3A_684, %get3A_685] {strides = array<i32>} : memref<512x128xf32, #tpu.memory_space<vmem>>, vector<16xf32>,
      %select_n3A = arith.select %ne3A_680, %get3A_686, %get3A_683 : vector<16xi1>, vector<16xf32>
      %swap3A_687 = arith.index_cast %scan3A_675 : i32 to index
      %swap3A_688 = arith.constant 0 : index
      %swap3A_689 = tpu.vector_load %arg8[%swap3A_687, %swap3A_688] {strides = array<i32>} : memref<512x128xf32, #tpu.memory_space<vmem>>, vector<16xf32>,
      tpu.vector_store %arg8[%swap3A_687, %swap3A_688], %select_n3A {strides = array<i32>} : memref<512x128xf32, #tpu.memory_space<vmem>>, vector<16xf32>,
      %get3A_690 = arith.index_cast %scan3A_675 : i32 to index
      %get3A_691 = arith.constant 16 : index
      %get3A_692 = tpu.vector_load %arg8[%get3A_690, %get3A_691] {strides = array<i32>} : memref<512x128xf32, #tpu.memory_space<vmem>>, vector<16xf32>,
      %get3A_693 = arith.index_cast %scan3A_675 : i32 to index
      %get3A_694 = arith.constant 80 : index
      %get3A_695 = tpu.vector_load %arg8[%get3A_693, %get3A_694] {strides = array<i32>} : memref<512x128xf32, #tpu.memory_space<vmem>>, vector<16xf32>,
      %select_n3A_696 = arith.select %ne3A_680, %get3A_695, %get3A_692 : vector<16xi1>, vector<16xf32>
      %swap3A_697 = arith.index_cast %scan3A_675 : i32 to index
      %swap3A_698 = arith.constant 16 : index
      %swap3A_699 = tpu.vector_load %arg8[%swap3A_697, %swap3A_698] {strides = array<i32>} : memref<512x128xf32, #tpu.memory_space<vmem>>, vector<16xf32>,
      tpu.vector_store %arg8[%swap3A_697, %swap3A_698], %select_n3A_696 {strides = array<i32>} : memref<512x128xf32, #tpu.memory_space<vmem>>, vector<16xf32>,
      %get3A_700 = arith.index_cast %scan3A_675 : i32 to index
      %get3A_701 = arith.constant 32 : index
      %get3A_702 = tpu.vector_load %arg8[%get3A_700, %get3A_701] {strides = array<i32>} : memref<512x128xf32, #tpu.memory_space<vmem>>, vector<16xf32>,
      %get3A_703 = arith.index_cast %scan3A_675 : i32 to index
      %get3A_704 = arith.constant 96 : index
      %get3A_705 = tpu.vector_load %arg8[%get3A_703, %get3A_704] {strides = array<i32>} : memref<512x128xf32, #tpu.memory_space<vmem>>, vector<16xf32>,
      %select_n3A_706 = arith.select %ne3A_680, %get3A_705, %get3A_702 : vector<16xi1>, vector<16xf32>
      %swap3A_707 = arith.index_cast %scan3A_675 : i32 to index
      %swap3A_708 = arith.constant 32 : index
      %swap3A_709 = tpu.vector_load %arg8[%swap3A_707, %swap3A_708] {strides = array<i32>} : memref<512x128xf32, #tpu.memory_space<vmem>>, vector<16xf32>,
      tpu.vector_store %arg8[%swap3A_707, %swap3A_708], %select_n3A_706 {strides = array<i32>} : memref<512x128xf32, #tpu.memory_space<vmem>>, vector<16xf32>,
      %get3A_710 = arith.index_cast %scan3A_675 : i32 to index
      %get3A_711 = arith.constant 48 : index
      %get3A_712 = tpu.vector_load %arg8[%get3A_710, %get3A_711] {strides = array<i32>} : memref<512x128xf32, #tpu.memory_space<vmem>>, vector<16xf32>,
      %get3A_713 = arith.index_cast %scan3A_675 : i32 to index
      %get3A_714 = arith.constant 112 : index
      %get3A_715 = tpu.vector_load %arg8[%get3A_713, %get3A_714] {strides = array<i32>} : memref<512x128xf32, #tpu.memory_space<vmem>>, vector<16xf32>,
      %select_n3A_716 = arith.select %ne3A_680, %get3A_715, %get3A_712 : vector<16xi1>, vector<16xf32>
      %swap3A_717 = arith.index_cast %scan3A_675 : i32 to index
      %swap3A_718 = arith.constant 48 : index
      %swap3A_719 = tpu.vector_load %arg8[%swap3A_717, %swap3A_718] {strides = array<i32>} : memref<512x128xf32, #tpu.memory_space<vmem>>, vector<16xf32>,
      tpu.vector_store %arg8[%swap3A_717, %swap3A_718], %select_n3A_716 {strides = array<i32>} : memref<512x128xf32, #tpu.memory_space<vmem>>, vector<16xf32>,
    }
    %scan3A_674 = arith.constant 128 : i32
    "tpu.region"() ({
      %run_scoped3A = tpu.sem_alloc : memref<!tpu.dma_semaphore, #tpu.memory_space<semaphore_mem>>
      %dma_start3A_675 = arith.constant 0 : i32
      %dma_start3A_676 = tpu.memref_slice %arg4[%mul3A_2, %dma_start3A_675] : memref<16384x128xf32, #tpu.memory_space<hbm>> -> memref<512x128xf32, #tpu.memory_space<hbm>>
      %dma_start3A_677 = arith.constant 0 : i32
      %dma_start3A_678 = tpu.memref_slice %arg4[%mul3A_2, %dma_start3A_677] : memref<16384x128xf32, #tpu.memory_space<hbm>> -> memref<512x128xf32, #tpu.memory_space<hbm>>
      tpu.enqueue_dma source(%arg8 : memref<512x128xf32, #tpu.memory_space<vmem>>) target(%dma_start3A_678 : memref<512x128xf32, #tpu.memory_space<hbm>>) target_semaphore(%run_scoped3A : memref<!tpu.dma_semaphore, #tpu.memory_space<semaphore_mem>>)
      %dma_wait3A_679 = arith.constant 0 : i32
      %dma_wait3A_680 = tpu.memref_slice %arg4[%mul3A_2, %dma_wait3A_679] : memref<16384x128xf32, #tpu.memory_space<hbm>> -> memref<512x128xf32, #tpu.memory_space<hbm>>
      %dma_wait3A_681 = arith.constant 0 : i32
      %dma_wait3A_682 = tpu.memref_slice %arg4[%mul3A_2, %dma_wait3A_681] : memref<16384x128xf32, #tpu.memory_space<hbm>> -> memref<512x128xf32, #tpu.memory_space<hbm>>
      tpu.wait_dma2 semaphore(%run_scoped3A : memref<!tpu.dma_semaphore, #tpu.memory_space<semaphore_mem>>) src(%arg8 : memref<512x128xf32, #tpu.memory_space<vmem>>) dst(%dma_wait3A_682 : memref<512x128xf32, #tpu.memory_space<hbm>>)
      tpu.yield
    }) : () -> ()
    return
  }
}

module attributes {stable_mosaic.version = 14 : i64} {
  func.func @_pair_body(%arg0: i32, %arg1: memref<64x16384xf32, #tpu.memory_space<vmem>>, %arg2: memref<64x16384xf32, #tpu.memory_space<vmem>>, %arg3: memref<16384x128xf32, #tpu.memory_space<vmem>>) attributes {dimension_semantics = [#tpu.dimension_semantics<arbitrary>], iteration_bounds = array<i64: 31>, scalar_prefetch = 0 : i64, scratch_operands = 0 : i64, tpu.core_type = #tpu.core_type<tc>, window_params = [{transform_indices = @transform_0, window_bounds = array<i64: 64, 16384>}, {transform_indices = @transform_1, window_bounds = array<i64: 64, 16384>}, {transform_indices = @transform_2, window_bounds = array<i64: 16384, 128>}]} {
    %get3A = arith.constant 0 : index
    %get3A_0 = arith.constant 0 : index
    %get3A_1 = vector.load %arg1[%get3A, %get3A_0] : memref<64x16384xf32, #tpu.memory_space<vmem>>, vector<64x16384xf32>
    %get3A_2 = arith.constant 0 : index
    %get3A_3 = arith.constant 0 : index
    %get3A_4 = vector.load %arg2[%get3A_2, %get3A_3] : memref<64x16384xf32, #tpu.memory_space<vmem>>, vector<64x16384xf32>
    %concatenate3A = tpu.concatenate %get3A_1, %get3A_4 in 0 : vector<64x16384xf32>, vector<64x16384xf32> -> vector<128x16384xf32>
    %transpose3A = tpu.transpose %concatenate3A, [1, 0] : vector<128x16384xf32> -> vector<16384x128xf32>
    %swap3A = arith.constant 0 : index
    %swap3A_5 = arith.constant 0 : index
    %swap3A_6 = vector.load %arg3[%swap3A, %swap3A_5] : memref<16384x128xf32, #tpu.memory_space<vmem>>, vector<16384x128xf32>
    tpu.vector_store %arg3[%swap3A, %swap3A_5], %transpose3A {strides = array<i32>} : memref<16384x128xf32, #tpu.memory_space<vmem>>, vector<16384x128xf32>,
    return
  }
  func.func @transform_0(%arg0: i32) -> (i32, i32) {
    %c0_i32 = arith.constant 0 : i32
    %c0_i32_0 = arith.constant 0 : i32
    return %c0_i32, %arg0 : i32, i32
  }
  func.func @transform_1(%arg0: i32) -> (i32, i32) {
    %add3A = arith.constant 31 : i32
    %add3A_0 = arith.addi %arg0, %add3A : i32
    %min3A = arith.constant 61 : i32
    %min3A_1 = arith.minsi %add3A_0, %min3A : i32
    %c0_i32 = arith.constant 0 : i32
    %c0_i32_2 = arith.constant 0 : i32
    return %c0_i32, %min3A_1 : i32, i32
  }
  func.func @transform_2(%arg0: i32) -> (i32, i32) {
    %c0_i32 = arith.constant 0 : i32
    %c0_i32_0 = arith.constant 0 : i32
    return %arg0, %c0_i32 : i32, i32
  }
}

</mosaic_0001>

<sc_bundles>
// kernel: kernel.4.cloned.1.call-start
scs
__scs_entry_jumppad:
0x0: {  	(pc) =	sbr.rel $0x88, $3  }
0x1: {  	(tag) =	ssettag $0x0;
	lr =	simm.s32 $0x1  }
0x2: {  	[smem:$0x3F9F] =	sst lr;
	_ =	strace $0xD0000000  }
0x3: {  	_ = 	snop  }
0x4: {  	_ = 	snop  }
0x5: {  	_ = 	snop  }
0x6: {  	_ = 	snop  }
0x7: {  	_ = 	snop  }
__scs_overlays_trampoline_lowered:
0x8: {  	[smem:$0x3FAE] =	sst s0  }
0x9: {  	[smem:$0x3FAF] =	sst s1  }
0xa: {  	[smem:$0x3FB0] =	sst s2  }
0xb: {  	[smem:$0x3FB1] =	sst s3  }
0xc: {  	[smem:$0x3FB2] =	sst s4  }
0xd: {  	[smem:$0x3FB3] =	sst s5  }
0xe: {  	[smem:$0x3FB4] =	sst s6  }
0xf: {  	[smem:$0x3FB5] =	sst s7  }
0x10: {  	[smem:$0x3FB6] =	sst s8  }
0x11: {  	[smem:$0x3FB7] =	sst s9;
	s0 =	simm.s32 @!p0 $0x0  }
0x12: {  	s1 =	sld [smem:$0x3F9D];
	s0 =	simm.s32 @p0 $0x1  }
0x13: {  	[smem:$0x3FB8] =	sst s0;
	s0 =	simm.s32 @!p1 $0x0  }
0x14: {  	s2 =	sld [smem:$0x3F9C];
	s0 =	simm.s32 @p1 $0x1  }
0x15: {  	[smem:$0x3FB9] =	sst s0;
	s0 =	simm.s32 @!p2 $0x0  }
0x16: {  	s3 =	sld [smem:$0x3FDB];
	s0 =	simm.s32 @p2 $0x1  }
0x17: {  	s4 =	simm.s32 $0x1BF5;
	[smem:$0x3FBB] =	sst s0  }
0x18: {  	s0 =	sld [smem:$0x3F9E];
	_ =	swait.ge [sflag:s4], $0x0  }
0x19: {  	s7 =	sld [smem:$0x3F9F]  }
0x1a: {  	s8 =	sadd.s32 $0xFFFFE003, lr  }
0x1b: {  	s9 =	sadd.s32 $0xFFFFFEF7, lr;
	s5 =	simm.s32 $0xFFFFFFFF;
	p2 =	slt.u32 s8, $0xFFFFF086  }
0x1c: {  	p1 =	slt.u32 s9, $0xF7A;
	s5 =	simm.s32 @!p2 $0x0  }
0x1d: {  	s5 =	simm.s32 @p1 $0x1;
	p0 =	seq.s32 s7, s2  }
0x1e: {  	s7 =	smul.u32 @!p0 $0xF7A, s2;
	p2 =	seq.s32 @!p0 s5, $0x0  }
0x1f: {  	s9 =	smul.u32 $0xF7A, s1;
	s8 =	simm.s32 @!p0 $0x1BF5;
	p2 =	por !p2, p0  }
0x20: {  	[sflag:s8] =	ssyncset.s32 @!p0 $0xFFFFF086;
	s6 =	sadd.s32 @!p0 s3, s7;
	s7 =	simm.s32 @!p0 $0x108  }
0x21: {  	s3 =	sadd.s32 s3, s9;
	s6 =	sadd.s32 @!p0 $0x88, s6;
	s7 =	simm.s32 @p2 $0x1082  }
0x22: {  	[simem:s7], [sflag:s8] =	dma.local @!p0 [hbm:s6], $0xF7A  }
0x23: {  	s9 =	sor.u32 $0xD0000000, s2;
	s6 =	simm.s32 $0x108;
	_ =	swait.ge @!p0 [sflag:s8], $0x0  }
0x24: {  	s3 =	sadd.s32 $0x88, s3;
	s6 =	simm.s32 @!p1 $0x1082;
	[sflag:s4] =	ssyncset.s32 $0xFFFFF086  }
0x25: {  	[simem:s6], [sflag:s4] =	dma.local [hbm:s3], $0xF7A  }
0x26: {  	[smem:$0x3F9F] =	sst s1;
	(tag) =	ssettag s2;
	_ =	strace s9  }
0x27: {  	s1 =	sld [smem:$0x3FAF]  }
0x28: {  	s2 =	sld [smem:$0x3FB0]  }
0x29: {  	s4 =	sld [smem:$0x3FB2]  }
0x2a: {  	p0 =	seq.s32 s5, $0x0;
	s5 =	sld [smem:$0x3FB3]  }
0x2b: {  	s6 =	sld [smem:$0x3FB4]  }
0x2c: {  	s7 =	sld [smem:$0x3FB5]  }
0x2d: {  	s3 =	simm.s32 $0x108;
	s8 =	sld [smem:$0x3FB6]  }
0x2e: {  	s3 =	simm.s32 @!p0 $0x1082;
	s9 =	sld [smem:$0x3FB7]  }
0x2f: {  	lr =	sadd.s32 s0, s3;
	s0 =	sld [smem:$0x3FAE]  }
0x30: {  	s3 =	sld [smem:$0x3FB1]  }
0x31: {  	[smem:$0x3FBA] =	sst s10  }
0x32: {  	s10 =	sld [smem:$0x3FB8];
	_ =	sdelay $0x3  }
0x33: {  	p0 =	seq.s32 s10, $0x1;
	s10 =	sld [smem:$0x3FBA];
	_ =	sdelay $0x3  }
0x34: {  	[smem:$0x3FBA] =	sst s10  }
0x35: {  	s10 =	sld [smem:$0x3FB9];
	_ =	sdelay $0x3  }
0x36: {  	p1 =	seq.s32 s10, $0x1;
	s10 =	sld [smem:$0x3FBA];
	_ =	sdelay $0x3  }
0x37: {  	[smem:$0x3FBA] =	sst s10  }
0x38: {  	s10 =	sld [smem:$0x3FBB]  }
0x39: {  	_ = 	snop;
	(pc) =	sbr.ind lr, $3  }
0x3a: {  	_ = 	snop  }
0x3b: {  	_ = 	snop  }
0x3c: {  	p2 =	seq.s32 s10, $0x1;
	s10 =	sld [smem:$0x3FBA]  }
0x3d: {  	_ =	shalt  }
0x3e: {  	_ =	shalt  }
0x3f: {  	_ =	shalt  }
0x40: {  	_ =	shalt  }
0x41: {  	_ =	shalt  }
0x42: {  	_ =	shalt  }
0x43: {  	_ =	shalt  }
0x44: {  	_ =	shalt  }
0x45: {  	_ =	shalt  }
0x46: {  	_ =	shalt  }
0x47: {  	_ =	shalt  }
0x48: {  	_ =	shalt  }
0x49: {  	_ =	shalt  }
0x4a: {  	_ =	shalt  }
0x4b: {  	_ =	shalt  }
0x4c: {  	_ =	shalt  }
0x4d: {  	_ =	shalt  }
0x4e: {  	_ =	shalt  }
0x4f: {  	_ =	shalt  }
0x50: {  	_ =	shalt  }
0x51: {  	_ =	shalt  }
0x52: {  	_ =	shalt  }
0x53: {  	_ =	shalt  }
0x54: {  	_ =	shalt  }
0x55: {  	_ =	shalt  }
0x56: {  	_ =	shalt  }
0x57: {  	_ =	shalt  }
0x58: {  	_ =	shalt  }
0x59: {  	_ =	shalt  }
0x5a: {  	_ =	shalt  }
0x5b: {  	_ =	shalt  }
0x5c: {  	_ =	shalt  }
0x5d: {  	_ =	shalt  }
0x5e: {  	_ =	shalt  }
0x5f: {  	_ =	shalt  }
0x60: {  	_ =	shalt  }
0x61: {  	_ =	shalt  }
0x62: {  	_ =	shalt  }
0x63: {  	_ =	shalt  }
0x64: {  	_ =	shalt  }
0x65: {  	_ =	shalt  }
0x66: {  	_ =	shalt  }
0x67: {  	_ =	shalt  }
0x68: {  	_ =	shalt  }
0x69: {  	_ =	shalt  }
0x6a: {  	_ =	shalt  }
0x6b: {  	_ =	shalt  }
0x6c: {  	_ =	shalt  }
0x6d: {  	_ =	shalt  }
0x6e: {  	_ =	shalt  }
0x6f: {  	_ =	shalt  }
0x70: {  	_ =	shalt  }
0x71: {  	_ =	shalt  }
0x72: {  	_ =	shalt  }
0x73: {  	_ =	shalt  }
0x74: {  	_ =	shalt  }
0x75: {  	_ =	shalt  }
0x76: {  	_ =	shalt  }
0x77: {  	_ =	shalt  }
0x78: {  	_ =	shalt  }
0x79: {  	_ =	shalt  }
0x7a: {  	_ =	shalt  }
0x7b: {  	_ =	shalt  }
0x7c: {  	_ =	shalt  }
0x7d: {  	_ =	shalt  }
0x7e: {  	_ =	shalt  }
0x7f: {  	_ =	shalt  }
0x80: {  	_ =	shalt  }
0x81: {  	_ =	shalt  }
0x82: {  	_ =	shalt  }
0x83: {  	_ =	shalt  }
0x84: {  	_ =	shalt  }
0x85: {  	_ =	shalt  }
0x86: {  	_ =	shalt  }
0x87: {  	_ =	shalt  }
.Lfunc_end0:
.L_simem_size_0:
called_computation_lowered:
.L_overlay_start_0:
0x88: {  	s2 =	sld [smem:$0x3FD9]  }
0x89: {  	s3 =	sld [smem:$0x3FFE];
	_ =	sdelay $0x1  }
0x8a: {  	s1 =	srdreg.scid  }
0x8b: {  	s0 =	sand.u32 $0x1, s1  }
0x8c: {  	s17 =	sshll.u32 s0, $0xA;
	s2 =	sadd.s32 s3, s2  }
0x8d: {  	s2 =	sadd.s32 s2, s17  }
0x8e: {  	[smem:$0x3FC6] =	sst s2  }
0x8f: {  	_ = 	snop  }
0x90: {  	s2 =	sld [smem:$0x3FC8];
	(tm) =	ssettm $0x1  }
0x91: {  	s18 =	sld [smem:$0x3FFB];
	_ =	sdelay $0x3  }
0x92: {  	_ =	strace s18  }
0x93: {  	s3 =	sld [smem:$0x3FFC];
	_ =	sdelay $0x3  }
0x94: {  	_ =	strace s3  }
0x95: {  	s3 =	sld [smem:$0x3FFD];
	_ =	sdelay $0x3  }
0x96: {  	_ =	strace s3  }
0x97: {  	_ =	strace $0x8FFFFFFF  }
0x98: {  	s19 =	sld [smem:$0x3FDB];
	_ =	sdelay $0x1  }
0x99: {  	s4 =	simm.s32 $_scs_section_size  }
0x9a: {  	s5 =	simm.s32 $_size__tile_overlayer_lowered;
	s6 =	simm.s32 $_tile_overlayer_lowered  }
0x9b: {  	s22 =	simm.s32 $0x1BFF;
	s21 =	sshll.u32 s6, $0x1;
	s3 =	sadd.s32 s4, s19  }
0x9c: {  	s7 =	simm.s32 $0x0;
	s20 =	sshll.u32 s5, $0x1;
	s5 =	sadd.s32 s21, s3  }
0x9d: {  	[timem:s7], [sflag:s22] =	dma.local [hbm:s5], s20  }
0x9e: {  	_ =	swait.ge [sflag:s22], s20  }
0x9f: {  	s4 =	ssub.s32 $0x0, s20;
	[sflag:s22] =	ssyncset.done $0x0  }
0xa0: {  	[sflag:s22] =	ssyncadd.s32 s4;
	_ =	sdelay $0x1  }
0xa1: {  	s23 =	simm.s32 $0x1B8B  }
0xa2: {  	_ =	swait.ge [sflag:s23], $0x1  }
0xa3: {  	[sflag:s23] =	ssyncset.done $0x0  }
0xa4: {  	s25 =	simm.s32 $0x1B8E;
	s24 =	sld [smem:$0x3FFE];
	[sflag:s23] =	ssyncadd.s32 $0xFFFFFFFF  }
0xa5: {  	s26 =	simm.s32 $execute0_lowered;
	[smem:$0x3FD2] =	sst s25  }
0xa6: {  	s5 =	sshll.u32 s26, $0x1;
	_ =	strace $0x80000046;
	[dreg:$0x1] =	wrdreg $0xFFFFFFFF  }
0xa7: {  	s28 =	simm.s32 $_size_execute0_lowered;
	s3 =	sadd.s32 s3, s5;
	[dreg:$0x0] =	wrdreg $0x0  }
0xa8: {  	s5 =	sshll.u32 s28, $0x1;
	[dreg:$0x2] =	wrdreg s3  }
0xa9: {  	[dreg:$0x3] =	wrdreg s5  }
0xaa: {  	[dreg:$0x4] =	wrdreg $0xC0  }
0xab: {  	_ =	task [dreg:s7], $0x5FFFF  }
0xac: {  	[dreg:$0x1] =	wrdreg $0xFFFFFFFF  }
0xad: {  	[dreg:$0x0] =	wrdreg $0x60  }
0xae: {  	[dreg:$0x2] =	wrdreg s24  }
0xaf: {  	[dreg:$0x3] =	wrdreg s2  }
0xb0: {  	[dreg:$0x4] =	wrdreg $0x9  }
0xb1: {  	_ =	task.clear_ibuf [dreg:s7], $0x5FFFF;
	_ =	strace $0x90000046  }
0xb2: {  	s29 =	simm.s32 $0x9;
	_ =	strace $0x80000048  }
0xb3: {  	_ =	swait.ge [sflag:s29], $0x1  }
0xb4: {  	[sflag:s29] =	ssyncadd.s32 $0xFFFFFFFF  }
0xb5: {  	_ =	strace $0x90000048  }
0xb6: {  	_ =	sfence  }
0xb7: {  	s30 =	sld [smem:$0x0];
	_ =	sdelay $0x2  }
0xb8: {  	s31 =	sshll.u32 s1, $0xD;
	s1 =	sshrl.u32 s1, $0x2  }
0xb9: {  	s3 =	sand.u32 $0x4000, s31;
	s1 =	sadd.s32 s1, s30  }
0xba: {  	s0 =	sor.u32 s3, s0;
	s1 =	sshll.u32 s1, $0x11  }
0xbb: {  	s0 =	sor.u32 s1, s0  }
0xbc: {  	s0 =	sadd.s32 $0x8F2B, s0  }
0xbd: {  	[sflag:s0] =	ssyncadd.remote.s32 $0x1  }
0xbe: {  	_ =	sfence.sel $0xFFFF  }
0xbf: {  	[dreg:$0x0] =	wrdreg $0xFFFFFFFF;
	(pc) =	sbr.abs _section_cstart, $3  }
0xc0: {  	[dreg:$0x1] =	wrdreg $0xFFFFFFFF  }
0xc1: {  	_ =	task.clear_ibuf [dreg:s7], $0x2FFFF;
	_ =	strace $0x9FFFFFFF  }
0xc2: {  	(tm) =	ssettm $0x7FFFFFFF  }
0xc3: {  	_ =	shalt  }
tec
execute0_lowered:
.L_overlay_start_1:
0x0: {  	(tag) =	ssettag $0x1  }
0x1: {  	s4 =	rddreg [dreg:$0x0]  }
0x2: {  	s5 =	rddreg [dreg:$0x1]  }
0x3: {  	s0 =	rddreg [dreg:$0x2];
	s2 =	simm.s32 $0x0;
	s3 =	srdreg.scid  }
0x4: {  	s1 =	stileid.u32;
	s10 =	simm.s32 $0x600;
	s11 =	simm.s32 $0x280  }
0x5: {  	s12 =	simm.s32 $0x4600;
	s13 =	simm.s32 $0x300;
	s14 =	simm.s32 $0x8600  }
0x6: {  	s15 =	simm.s32 $0x380;
	s16 =	simm.s32 $0xC600;
	s17 =	simm.s32 $0x1  }
0x7: {  	s18 =	simm.s32 $0x400;
	s19 =	simm.s32 $0x2;
	s20 =	simm.s32 $0x3  }
0x8: {  	s21 =	simm.s32 $0x4;
	s22 =	simm.s32 $0x0;
	s6 =	sand.u32 $0x1, s3  }
0x9: {  	[smem:$0x7FF] =	sst s2;
	s7 =	sshll.u32 s1, $0xA;
	s8 =	sshll.u32 s6, $0x9  }
0xa: {  	s3 =	sadd.s32 $0x400, s4;
	s6 =	ssub.s32 $0x2, s6;
	s7 =	sor.u32 s8, s7  }
0xb: {  	_ =	strace $0x80000047;
	s9 =	sshrl.u32 s6, $0x1;
	s8 =	sshll.u32 s7, $0x4  }
0xc: {  	s7 =	sshrl.u32 s7, $0x3;
	s6 =	ssub.s32 s6, s9;
	s9 =	simm.s32 $0x200  }
0xd: {  	s8 =	sadd.s32 s8, s4;
	s4 =	sadd.s32 s5, s7;
	s6 =	smax.u32 s6, $0x1  }
0xe: {  	v0 =	vimm.s32 $0x0;
	s7 =	simm.s32 $0x5;
	s5 =	sadd.s32 $0x7C0400, s8;
	s8 =	simm.s32 $0x80  }
.LBB2_1:
0xf: {  	[tilespmem:s2], [sflag:$0x5] =	stream.linear.gather [hbm4b:s4+s2], $0x200, $0x38;
	[tilespmem:$0x10600] =	vst v63  }
0x10: {  	_ =	swait.ge [sflag:s7], $0x200  }
0x11: {  	[sflag:s7] =	ssyncset.done $0x0  }
0x12: {  	[sflag:s7] =	ssyncadd.s32 $0xFFFFFE00  }
0x13: {  	v1 =	vld [tilespmem:$0x0];
	_ =	sdelay $0x1  }
0x14: {  	v2 =	vld [tilespmem:$0x10];
	_ =	sdelay $0x2  }
0x15: {  	v3 =	vld [tilespmem:$0x20];
	vm0 =	vgt.s32 v1, $0x7BFFF  }
0x16: {  	v4 =	vsel vm0, $0xFFF84000, v0  }
0x17: {  	v5 =	vld [tilespmem:$0x30];
	vm1 =	vgt.s32 v2, $0x7BFFF;
	v1 =	vadd.s32 v1, v4  }
0x18: {  	v4 =	vsel vm0, $0x1, v0;
	[tilespmem:$0x200] =	vst v1;
	v1 =	vsel vm1, $0xFFF84000, v0  }
0x19: {  	v6 =	vld [tilespmem:$0x40];
	[tilespmem:$0x400] =	vst v4;
	v1 =	vadd.s32 v2, v1  }
0x1a: {  	vm0 =	vgt.s32 v3, $0x7BFFF;
	v2 =	vsel vm1, $0x1, v0;
	[tilespmem:$0x210] =	vst v1  }
0x1b: {  	v4 =	vld [tilespmem:$0x50];
	v1 =	vsel vm0, $0xFFF84000, v0;
	[tilespmem:$0x410] =	vst v2;
	v2 =	vsel vm0, $0x1, v0  }
0x1c: {  	vm1 =	vgt.s32 v5, $0x7BFFF;
	v1 =	vadd.s32 v3, v1;
	[tilespmem:$0x420] =	vst v2  }
0x1d: {  	v3 =	vld [tilespmem:$0x60];
	v2 =	vsel vm1, $0x1, v0;
	[tilespmem:$0x220] =	vst v1;
	v1 =	vsel vm1, $0xFFF84000, v0  }
0x1e: {  	vm0 =	vgt.s32 v6, $0x7BFFF;
	[tilespmem:$0x430] =	vst v2;
	v1 =	vadd.s32 v5, v1  }
0x1f: {  	v2 =	vsel vm0, $0x1, v0;
	v5 =	vld [tilespmem:$0x70];
	[tilespmem:$0x230] =	vst v1;
	v1 =	vsel vm0, $0xFFF84000, v0  }
0x20: {  	vm1 =	vgt.s32 v4, $0x7BFFF;
	[tilespmem:$0x440] =	vst v2;
	v1 =	vadd.s32 v6, v1  }
0x21: {  	v2 =	vsel vm1, $0x1, v0;
	v6 =	vld [tilespmem:$0x80];
	[tilespmem:$0x240] =	vst v1;
	v1 =	vsel vm1, $0xFFF84000, v0  }
0x22: {  	[tilespmem:$0x450] =	vst v2;
	vm0 =	vgt.s32 v3, $0x7BFFF;
	v1 =	vadd.s32 v4, v1  }
0x23: {  	v4 =	vld [tilespmem:$0x90];
	v2 =	vsel vm0, $0x1, v0;
	[tilespmem:$0x250] =	vst v1;
	v1 =	vsel vm0, $0xFFF84000, v0  }
0x24: {  	vm1 =	vgt.s32 v5, $0x7BFFF;
	[tilespmem:$0x460] =	vst v2;
	v1 =	vadd.s32 v3, v1  }
0x25: {  	v3 =	vld [tilespmem:$0xA0];
	v2 =	vsel vm1, $0x1, v0;
	[tilespmem:$0x260] =	vst v1;
	v1 =	vsel vm1, $0xFFF84000, v0  }
0x26: {  	vm0 =	vgt.s32 v6, $0x7BFFF;
	[tilespmem:$0x470] =	vst v2;
	v1 =	vadd.s32 v5, v1  }
0x27: {  	v5 =	vld [tilespmem:$0xB0];
	v2 =	vsel vm0, $0x1, v0;
	[tilespmem:$0x270] =	vst v1;
	v1 =	vsel vm0, $0xFFF84000, v0  }
0x28: {  	vm1 =	vgt.s32 v4, $0x7BFFF;
	[tilespmem:$0x480] =	vst v2;
	v1 =	vadd.s32 v6, v1  }
0x29: {  	v6 =	vld [tilespmem:$0xC0];
	v2 =	vsel vm1, $0x1, v0;
	[tilespmem:$0x280] =	vst v1;
	v1 =	vsel vm1, $0xFFF84000, v0  }
0x2a: {  	vm0 =	vgt.s32 v3, $0x7BFFF;
	[tilespmem:$0x490] =	vst v2;
	v1 =	vadd.s32 v4, v1  }
0x2b: {  	v4 =	vld [tilespmem:$0xD0];
	v2 =	vsel vm0, $0x1, v0;
	[tilespmem:$0x290] =	vst v1;
	v1 =	vsel vm0, $0xFFF84000, v0  }
0x2c: {  	vm1 =	vgt.s32 v5, $0x7BFFF;
	[tilespmem:$0x4A0] =	vst v2;
	v1 =	vadd.s32 v3, v1  }
0x2d: {  	v3 =	vld [tilespmem:$0xE0];
	v2 =	vsel vm1, $0x1, v0;
	[tilespmem:$0x2A0] =	vst v1;
	v1 =	vsel vm1, $0xFFF84000, v0  }
0x2e: {  	vm0 =	vgt.s32 v6, $0x7BFFF;
	[tilespmem:$0x4B0] =	vst v2;
	v1 =	vadd.s32 v5, v1  }
0x2f: {  	v5 =	vld [tilespmem:$0xF0];
	v2 =	vsel vm0, $0x1, v0;
	[tilespmem:$0x2B0] =	vst v1;
	v1 =	vsel vm0, $0xFFF84000, v0  }
0x30: {  	vm1 =	vgt.s32 v4, $0x7BFFF;
	[tilespmem:$0x4C0] =	vst v2;
	v1 =	vadd.s32 v6, v1  }
0x31: {  	v6 =	vld [tilespmem:$0x100];
	v2 =	vsel vm1, $0x1, v0;
	[tilespmem:$0x2C0] =	vst v1;
	v1 =	vsel vm1, $0xFFF84000, v0  }
0x32: {  	vm0 =	vgt.s32 v3, $0x7BFFF;
	[tilespmem:$0x4D0] =	vst v2;
	v1 =	vadd.s32 v4, v1  }
0x33: {  	v4 =	vld [tilespmem:$0x110];
	v2 =	vsel vm0, $0x1, v0;
	[tilespmem:$0x2D0] =	vst v1;
	v1 =	vsel vm0, $0xFFF84000, v0  }
0x34: {  	vm1 =	vgt.s32 v5, $0x7BFFF;
	[tilespmem:$0x4E0] =	vst v2;
	v1 =	vadd.s32 v3, v1  }
0x35: {  	v3 =	vld [tilespmem:$0x120];
	v2 =	vsel vm1, $0x1, v0;
	[tilespmem:$0x2E0] =	vst v1;
	v1 =	vsel vm1, $0xFFF84000, v0  }
0x36: {  	vm0 =	vgt.s32 v6, $0x7BFFF;
	[tilespmem:$0x4F0] =	vst v2;
	v1 =	vadd.s32 v5, v1  }
0x37: {  	v5 =	vld [tilespmem:$0x130];
	v2 =	vsel vm0, $0x1, v0;
	[tilespmem:$0x2F0] =	vst v1;
	v1 =	vsel vm0, $0xFFF84000, v0  }
0x38: {  	vm1 =	vgt.s32 v4, $0x7BFFF;
	[tilespmem:$0x500] =	vst v2;
	v1 =	vadd.s32 v6, v1  }
0x39: {  	v6 =	vld [tilespmem:$0x140];
	v2 =	vsel vm1, $0x1, v0;
	[tilespmem:$0x300] =	vst v1;
	v1 =	vsel vm1, $0xFFF84000, v0  }
0x3a: {  	vm0 =	vgt.s32 v3, $0x7BFFF;
	[tilespmem:$0x510] =	vst v2;
	v1 =	vadd.s32 v4, v1  }
0x3b: {  	v4 =	vld [tilespmem:$0x150];
	v2 =	vsel vm0, $0x1, v0;
	[tilespmem:$0x310] =	vst v1;
	v1 =	vsel vm0, $0xFFF84000, v0  }
0x3c: {  	vm1 =	vgt.s32 v5, $0x7BFFF;
	[tilespmem:$0x520] =	vst v2;
	v1 =	vadd.s32 v3, v1  }
0x3d: {  	v3 =	vld [tilespmem:$0x160];
	v2 =	vsel vm1, $0x1, v0;
	[tilespmem:$0x320] =	vst v1;
	v1 =	vsel vm1, $0xFFF84000, v0  }
0x3e: {  	vm0 =	vgt.s32 v6, $0x7BFFF;
	[tilespmem:$0x530] =	vst v2;
	v1 =	vadd.s32 v5, v1  }
0x3f: {  	v5 =	vld [tilespmem:$0x170];
	v2 =	vsel vm0, $0x1, v0;
	[tilespmem:$0x330] =	vst v1;
	v1 =	vsel vm0, $0xFFF84000, v0  }
0x40: {  	vm1 =	vgt.s32 v4, $0x7BFFF;
	[tilespmem:$0x540] =	vst v2;
	v1 =	vadd.s32 v6, v1  }
0x41: {  	v6 =	vld [tilespmem:$0x180];
	v2 =	vsel vm1, $0x1, v0;
	[tilespmem:$0x340] =	vst v1;
	v1 =	vsel vm1, $0xFFF84000, v0  }
0x42: {  	vm0 =	vgt.s32 v3, $0x7BFFF;
	[tilespmem:$0x550] =	vst v2;
	v1 =	vadd.s32 v4, v1  }
0x43: {  	v4 =	vld [tilespmem:$0x190];
	v2 =	vsel vm0, $0x1, v0;
	[tilespmem:$0x350] =	vst v1;
	v1 =	vsel vm0, $0xFFF84000, v0  }
0x44: {  	vm1 =	vgt.s32 v5, $0x7BFFF;
	[tilespmem:$0x560] =	vst v2;
	v1 =	vadd.s32 v3, v1  }
0x45: {  	v3 =	vld [tilespmem:$0x1A0];
	v2 =	vsel vm1, $0x1, v0;
	[tilespmem:$0x360] =	vst v1;
	v1 =	vsel vm1, $0xFFF84000, v0  }
0x46: {  	vm0 =	vgt.s32 v6, $0x7BFFF;
	[tilespmem:$0x570] =	vst v2;
	v1 =	vadd.s32 v5, v1  }
0x47: {  	v5 =	vld [tilespmem:$0x1B0];
	v2 =	vsel vm0, $0x1, v0;
	[tilespmem:$0x370] =	vst v1;
	v1 =	vsel vm0, $0xFFF84000, v0  }
0x48: {  	vm1 =	vgt.s32 v4, $0x7BFFF;
	[tilespmem:$0x580] =	vst v2;
	v1 =	vadd.s32 v6, v1  }
0x49: {  	v6 =	vld [tilespmem:$0x1C0];
	v2 =	vsel vm1, $0x1, v0;
	[tilespmem:$0x380] =	vst v1;
	v1 =	vsel vm1, $0xFFF84000, v0  }
0x4a: {  	vm0 =	vgt.s32 v3, $0x7BFFF;
	[tilespmem:$0x590] =	vst v2;
	v1 =	vadd.s32 v4, v1  }
0x4b: {  	v4 =	vld [tilespmem:$0x1D0];
	v2 =	vsel vm0, $0x1, v0;
	[tilespmem:$0x390] =	vst v1;
	v1 =	vsel vm0, $0xFFF84000, v0  }
0x4c: {  	vm1 =	vgt.s32 v5, $0x7BFFF;
	[tilespmem:$0x5A0] =	vst v2;
	v1 =	vadd.s32 v3, v1  }
0x4d: {  	v3 =	vld [tilespmem:$0x1E0];
	v2 =	vsel vm1, $0x1, v0;
	[tilespmem:$0x3A0] =	vst v1;
	v1 =	vsel vm1, $0xFFF84000, v0  }
0x4e: {  	vm0 =	vgt.s32 v6, $0x7BFFF;
	[tilespmem:$0x5B0] =	vst v2;
	v1 =	vadd.s32 v5, v1  }
0x4f: {  	v5 =	vld [tilespmem:$0x1F0];
	v2 =	vsel vm0, $0x1, v0;
	[tilespmem:$0x3B0] =	vst v1;
	v1 =	vsel vm0, $0xFFF84000, v0  }
0x50: {  	vm1 =	vgt.s32 v4, $0x7BFFF;
	[tilespmem:$0x5C0] =	vst v2;
	v1 =	vadd.s32 v6, v1  }
0x51: {  	v2 =	vsel vm1, $0x1, v0;
	[tilespmem:$0x3C0] =	vst v1;
	v1 =	vsel vm1, $0xFFF84000, v0  }
0x52: {  	vm0 =	vgt.s32 v3, $0x7BFFF;
	[tilespmem:$0x5D0] =	vst v2;
	v1 =	vadd.s32 v4, v1  }
0x53: {  	v2 =	vsel vm0, $0x1, v0;
	[tilespmem:$0x3D0] =	vst v1;
	v1 =	vsel vm0, $0xFFF84000, v0  }
0x54: {  	vm1 =	vgt.s32 v5, $0x7BFFF;
	[tilespmem:$0x5E0] =	vst v2;
	v1 =	vadd.s32 v3, v1  }
0x55: {  	v2 =	vsel vm1, $0x1, v0;
	[tilespmem:$0x3E0] =	vst v1;
	v1 =	vsel vm1, $0xFFF84000, v0  }
0x56: {  	[tilespmem:$0x5F0] =	vst v2;
	v1 =	vadd.s32 v5, v1  }
0x57: {  	[tilespmem:$0x3F0] =	vst v1  }
0x58: {  	[tilespmem:s10], [sflag:$0x1] =	stream.indirect.gather [hbm4b:s3+s8], $0x80, s9, s8, $0xb8;
	[tilespmem:$0x10600] =	vst v63  }
0x59: {  	_ = 	snop  }
0x5a: {  	[tilespmem:s12], [sflag:$0x2] =	stream.indirect.gather [hbm4b:s3+s8], $0x80, s11, s8, $0xb8;
	[tilespmem:$0x10600] =	vst v63  }
0x5b: {  	_ = 	snop  }
0x5c: {  	[tilespmem:s14], [sflag:$0x3] =	stream.indirect.gather [hbm4b:s3+s8], $0x80, s13, s8, $0xb8;
	[tilespmem:$0x10600] =	vst v63  }
0x5d: {  	_ = 	snop  }
0x5e: {  	[tilespmem:s16], [sflag:$0x4] =	stream.indirect.gather [hbm4b:s3+s8], $0x80, s15, s8, $0xb8;
	[tilespmem:$0x10600] =	vst v63  }
0x5f: {  	_ =	swait.ge [sflag:s17], $0x4000  }
0x60: {  	[sflag:s17] =	ssyncset.done $0x0  }
0x61: {  	s23 =	simm.s32 $0x640;
	v1 =	vmov s2;
	[sflag:s17] =	ssyncadd.s32 $0xFFFFC000  }
0x62: {  	v5 =	vld [tilespmem:s23+$0x0]  }
0x63: {  	v6 =	vld [tilespmem:s23+$0x10]  }
0x64: {  	v8 =	vld [tilespmem:s23+$0x20]  }
0x65: {  	v9 =	vld [tilespmem:s23+$0xFFFFFFE0]  }
0x66: {  	v1 =	vld.idx.msk [tilespmem:v1+s18+$0x0], $0xffff  }
0x67: {  	v10 =	vld [tilespmem:s23+$0xFFFFFFD0]  }
0x68: {  	v7 =	vld [tilespmem:s23+$0xFFFFFFC0]  }
0x69: {  	v2 =	vld [tilespmem:s23+$0xFFFFFFF0]  }
0x6a: {  	v4 =	vld [tilespmem:s23+$0x30];
	_ =	sdelay $0x1  }
0x6b: {  	s24 =	simm.s32 $0x1  }
0x6c: {  	v3 =	vmov s24;
	s24 =	simm.s32 $0x6C0;
	vm0 =	veq.s32 v1, $0x0  }
0x6d: {  	s25 =	simm.s32 $0x2;
	v1 =	vld [tilespmem:s24+$0x0];
	v7 =	vsel vm0, v7, v5;
	v6 =	vsel vm0, v10, v6;
	v5 =	vsel vm0, v9, v8  }
.LBB2_2:
0x6e: {  	p0 =	sne.s32 s25, $0x7F;
	v8 =	vld [tilespmem:s24+$0x10];
	[tilespmem:s23+$0xFFFFFFC0] =	vst v7;
	v4 =	vsel vm0, v2, v4  }
0x6f: {  	v9 =	vld [tilespmem:s24+$0x20];
	[tilespmem:s23+$0xFFFFFFD0] =	vst v6  }
0x70: {  	v2 =	vld [tilespmem:s24+$0xFFFFFFF0];
	[tilespmem:s23+$0xFFFFFFE0] =	vst v5  }
0x71: {  	v5 =	vld [tilespmem:s24+$0xFFFFFFE0];
	[tilespmem:s23+$0xFFFFFFF0] =	vst v4;
	s23 =	smov.u32 s24  }
0x72: {  	v6 =	vld.idx.msk [tilespmem:v3+s18+$0x0], $0xffff  }
0x73: {  	v10 =	vld [tilespmem:s24+$0xFFFFFFD0]  }
0x74: {  	v7 =	vld [tilespmem:s24+$0xFFFFFFC0]  }
.Ltmp0:
0x75: {  	v4 =	vld [tilespmem:s24+$0x30];
	(pc) =	sbr.rel @p0 .LBB2_2-.Ltmp0, $3  }
0x76: {  	_ =	sdelay $0x1  }
0x77: {  	v3 =	vmov s25;
	s24 =	sadd.s32 $0x80, s24;
	vm0 =	veq.s32 v6, $0x0  }
0x78: {  	s25 =	sadd.s32 $0x1, s25;
	v6 =	vsel vm0, v10, v8;
	v5 =	vsel vm0, v5, v9;
	v7 =	vsel vm0, v7, v1;
	v1 =	vld [tilespmem:s24+$0x0]  }
0x79: {  	[tilespmem:s23+$0xFFFFFFC0] =	vst v7;
	v7 =	vld [tilespmem:s24+$0x10]  }
0x7a: {  	[tilespmem:s23+$0xFFFFFFD0] =	vst v6;
	v8 =	vld [tilespmem:s24+$0x20]  }
0x7b: {  	v2 =	vsel vm0, v2, v4;
	v6 =	vld [tilespmem:s24+$0xFFFFFFF0];
	[tilespmem:s23+$0xFFFFFFE0] =	vst v5  }
0x7c: {  	v4 =	vld [tilespmem:s24+$0xFFFFFFE0];
	[tilespmem:s23+$0xFFFFFFF0] =	vst v2  }
0x7d: {  	v2 =	vld.idx.msk [tilespmem:v3+s18+$0x0], $0xffff  }
0x7e: {  	v3 =	vld [tilespmem:s24+$0xFFFFFFC0]  }
0x7f: {  	v5 =	vld [tilespmem:s24+$0xFFFFFFD0];
	_ =	sdelay $0x1  }
0x80: {  	v9 =	vld [tilespmem:s24+$0x30]  }
0x81: {  	vm0 =	veq.s32 v2, $0x0  }
0x82: {  	v1 =	vsel vm0, v3, v1  }
0x83: {  	v2 =	vsel vm0, v5, v7;
	[tilespmem:s24+$0xFFFFFFC0] =	vst v1  }
0x84: {  	v1 =	vsel vm0, v4, v8;
	[tilespmem:s24+$0xFFFFFFD0] =	vst v2  }
0x85: {  	v2 =	vsel vm0, v6, v9;
	[tilespmem:s24+$0xFFFFFFE0] =	vst v1  }
0x86: {  	[tilespmem:s24+$0xFFFFFFF0] =	vst v2  }
0x87: {  	_ =	swait.ge [sflag:s19], $0x4000  }
0x88: {  	[sflag:s19] =	ssyncset.done $0x0  }
0x89: {  	s23 =	simm.s32 $0x0;
	[sflag:s19] =	ssyncadd.s32 $0xFFFFC000  }
0x8a: {  	s31 =	simm.s32 $0x80;
	v5 =	vld [tilespmem:s23+$0x4640]  }
0x8b: {  	v1 =	vmov s31;
	v6 =	vld [tilespmem:s23+$0x4650]  }
0x8c: {  	v8 =	vld [tilespmem:s23+$0x4660]  }
0x8d: {  	v63 =	vld [tilespmem:s23+$0x4620]  }
0x8e: {  	v10 =	vld [tilespmem:s23+$0x4610]  }
0x8f: {  	v7 =	vld [tilespmem:s23+$0x4600]  }
0x90: {  	v1 =	vld.idx.msk [tilespmem:v1+s18+$0x0], $0xffff  }
0x91: {  	v2 =	vld [tilespmem:s23+$0x4670]  }
0x92: {  	v4 =	vld [tilespmem:s23+$0x4630];
	_ =	sdelay $0x1  }
0x93: {  	s25 =	simm.s32 $0x81  }
0x94: {  	v3 =	vmov s25;
	s24 =	simm.s32 $0x80;
	vm0 =	veq.s32 v1, $0x0  }
0x95: {  	s26 =	simm.s32 $0x400;
	v1 =	vld [tilespmem:s24+$0x4640];
	v7 =	vsel vm0, v7, v5;
	v6 =	vsel vm0, v10, v6;
	v5 =	vsel vm0, v63, v8  }
.LBB2_4:
0x96: {  	p0 =	sne.s32 s26, $0xFE00;
	v8 =	vld [tilespmem:s24+$0x4650];
	[tilespmem:s23+$0x4600] =	vst v7;
	v4 =	vsel vm0, v4, v2  }
0x97: {  	v9 =	vld [tilespmem:s24+$0x4660];
	[tilespmem:s23+$0x4610] =	vst v6  }
0x98: {  	v2 =	vld [tilespmem:s24+$0x4670];
	[tilespmem:s23+$0x4620] =	vst v5  }
0x99: {  	v5 =	vld [tilespmem:s24+$0x4620];
	[tilespmem:s23+$0x4630] =	vst v4;
	s23 =	smov.u32 s24  }
0x9a: {  	v6 =	vld.idx.msk [tilespmem:v3+s18+$0x0], $0xffff  }
0x9b: {  	v10 =	vld [tilespmem:s23+$0x4610]  }
0x9c: {  	v7 =	vld [tilespmem:s23+$0x4600]  }
.Ltmp1:
0x9d: {  	v4 =	vld [tilespmem:s23+$0x4630];
	(pc) =	sbr.rel @p0 .LBB2_4-.Ltmp1, $4  }
0x9e: {  	_ = 	snop  }
0x9f: {  	s25 =	sadd.s32 $0x1, s25  }
0xa0: {  	s24 =	sshra.s32 s26, $0x2;
	v3 =	vmov s25;
	vm0 =	veq.s32 v6, $0x0  }
0xa1: {  	s26 =	sadd.s32 $0x200, s26;
	v6 =	vsel vm0, v10, v8;
	v5 =	vsel vm0, v5, v9;
	v7 =	vsel vm0, v7, v1;
	v1 =	vld [tilespmem:s24+$0x4640]  }
0xa2: {  	v8 =	vld [tilespmem:s24+$0x4650];
	[tilespmem:s23+$0x4600] =	vst v7  }
0xa3: {  	v7 =	vld [tilespmem:s24+$0x4660];
	[tilespmem:s23+$0x4610] =	vst v6  }
0xa4: {  	v2 =	vsel vm0, v4, v2;
	v6 =	vld [tilespmem:s24+$0x4670];
	[tilespmem:s23+$0x4620] =	vst v5  }
0xa5: {  	v4 =	vld [tilespmem:s24+$0x4620];
	[tilespmem:s23+$0x4630] =	vst v2  }
0xa6: {  	v2 =	vld.idx.msk [tilespmem:v3+s18+$0x0], $0xffff  }
0xa7: {  	v3 =	vld [tilespmem:s24+$0x4600]  }
0xa8: {  	v5 =	vld [tilespmem:s24+$0x4610];
	_ =	sdelay $0x1  }
0xa9: {  	v9 =	vld [tilespmem:s24+$0x4630]  }
0xaa: {  	vm0 =	veq.s32 v2, $0x0  }
0xab: {  	v1 =	vsel vm0, v3, v1  }
0xac: {  	v2 =	vsel vm0, v5, v8;
	[tilespmem:s24+$0x4600] =	vst v1  }
0xad: {  	v1 =	vsel vm0, v4, v7;
	[tilespmem:s24+$0x4610] =	vst v2  }
0xae: {  	v2 =	vsel vm0, v9, v6;
	[tilespmem:s24+$0x4620] =	vst v1  }
0xaf: {  	[tilespmem:s24+$0x4630] =	vst v2  }
0xb0: {  	_ =	swait.ge [sflag:s20], $0x4000  }
0xb1: {  	[sflag:s20] =	ssyncset.done $0x0  }
0xb2: {  	s23 =	simm.s32 $0x0;
	[sflag:s20] =	ssyncadd.s32 $0xFFFFC000  }
0xb3: {  	s31 =	simm.s32 $0x100;
	v5 =	vld [tilespmem:s23+$0x8640]  }
0xb4: {  	v1 =	vmov s31;
	v6 =	vld [tilespmem:s23+$0x8650]  }
0xb5: {  	v8 =	vld [tilespmem:s23+$0x8660]  }
0xb6: {  	v63 =	vld [tilespmem:s23+$0x8620]  }
0xb7: {  	v10 =	vld [tilespmem:s23+$0x8610]  }
0xb8: {  	v7 =	vld [tilespmem:s23+$0x8600]  }
0xb9: {  	v1 =	vld.idx.msk [tilespmem:v1+s18+$0x0], $0xffff  }
0xba: {  	v2 =	vld [tilespmem:s23+$0x8670]  }
0xbb: {  	v4 =	vld [tilespmem:s23+$0x8630];
	_ =	sdelay $0x1  }
0xbc: {  	s25 =	simm.s32 $0x101  }
0xbd: {  	v3 =	vmov s25;
	s24 =	simm.s32 $0x80;
	vm0 =	veq.s32 v1, $0x0  }
0xbe: {  	s26 =	simm.s32 $0x400;
	v1 =	vld [tilespmem:s24+$0x8640];
	v7 =	vsel vm0, v7, v5;
	v6 =	vsel vm0, v10, v6;
	v5 =	vsel vm0, v63, v8  }
.LBB2_6:
0xbf: {  	p0 =	sne.s32 s26, $0xFE00;
	v8 =	vld [tilespmem:s24+$0x8650];
	[tilespmem:s23+$0x8600] =	vst v7;
	v4 =	vsel vm0, v4, v2  }
0xc0: {  	v9 =	vld [tilespmem:s24+$0x8660];
	[tilespmem:s23+$0x8610] =	vst v6  }
0xc1: {  	v2 =	vld [tilespmem:s24+$0x8670];
	[tilespmem:s23+$0x8620] =	vst v5  }
0xc2: {  	v5 =	vld [tilespmem:s24+$0x8620];
	[tilespmem:s23+$0x8630] =	vst v4;
	s23 =	smov.u32 s24  }
0xc3: {  	v6 =	vld.idx.msk [tilespmem:v3+s18+$0x0], $0xffff  }
0xc4: {  	v10 =	vld [tilespmem:s23+$0x8610]  }
0xc5: {  	v7 =	vld [tilespmem:s23+$0x8600]  }
.Ltmp2:
0xc6: {  	v4 =	vld [tilespmem:s23+$0x8630];
	(pc) =	sbr.rel @p0 .LBB2_6-.Ltmp2, $4  }
0xc7: {  	_ = 	snop  }
0xc8: {  	s25 =	sadd.s32 $0x1, s25  }
0xc9: {  	s24 =	sshra.s32 s26, $0x2;
	v3 =	vmov s25;
	vm0 =	veq.s32 v6, $0x0  }
0xca: {  	s26 =	sadd.s32 $0x200, s26;
	v6 =	vsel vm0, v10, v8;
	v5 =	vsel vm0, v5, v9;
	v7 =	vsel vm0, v7, v1;
	v1 =	vld [tilespmem:s24+$0x8640]  }
0xcb: {  	v8 =	vld [tilespmem:s24+$0x8650];
	[tilespmem:s23+$0x8600] =	vst v7  }
0xcc: {  	v7 =	vld [tilespmem:s24+$0x8660];
	[tilespmem:s23+$0x8610] =	vst v6  }
0xcd: {  	v2 =	vsel vm0, v4, v2;
	v6 =	vld [tilespmem:s24+$0x8670];
	[tilespmem:s23+$0x8620] =	vst v5  }
0xce: {  	v4 =	vld [tilespmem:s24+$0x8620];
	[tilespmem:s23+$0x8630] =	vst v2  }
0xcf: {  	v2 =	vld.idx.msk [tilespmem:v3+s18+$0x0], $0xffff  }
0xd0: {  	v3 =	vld [tilespmem:s24+$0x8600]  }
0xd1: {  	v5 =	vld [tilespmem:s24+$0x8610];
	_ =	sdelay $0x1  }
0xd2: {  	v9 =	vld [tilespmem:s24+$0x8630]  }
0xd3: {  	vm0 =	veq.s32 v2, $0x0  }
0xd4: {  	v1 =	vsel vm0, v3, v1  }
0xd5: {  	v2 =	vsel vm0, v5, v8;
	[tilespmem:s24+$0x8600] =	vst v1  }
0xd6: {  	v1 =	vsel vm0, v4, v7;
	[tilespmem:s24+$0x8610] =	vst v2  }
0xd7: {  	v2 =	vsel vm0, v9, v6;
	[tilespmem:s24+$0x8620] =	vst v1  }
0xd8: {  	[tilespmem:s24+$0x8630] =	vst v2  }
0xd9: {  	_ =	swait.ge [sflag:s21], $0x4000  }
0xda: {  	[sflag:s21] =	ssyncset.done $0x0  }
0xdb: {  	s23 =	simm.s32 $0x0;
	[sflag:s21] =	ssyncadd.s32 $0xFFFFC000  }
0xdc: {  	s31 =	simm.s32 $0x180;
	v5 =	vld [tilespmem:s23+$0xC640]  }
0xdd: {  	v1 =	vmov s31;
	v6 =	vld [tilespmem:s23+$0xC650]  }
0xde: {  	v8 =	vld [tilespmem:s23+$0xC660]  }
0xdf: {  	v63 =	vld [tilespmem:s23+$0xC620]  }
0xe0: {  	v10 =	vld [tilespmem:s23+$0xC610]  }
0xe1: {  	v7 =	vld [tilespmem:s23+$0xC600]  }
0xe2: {  	v1 =	vld.idx.msk [tilespmem:v1+s18+$0x0], $0xffff  }
0xe3: {  	v2 =	vld [tilespmem:s23+$0xC670]  }
0xe4: {  	v4 =	vld [tilespmem:s23+$0xC630];
	_ =	sdelay $0x1  }
0xe5: {  	s25 =	simm.s32 $0x181  }
0xe6: {  	v3 =	vmov s25;
	s24 =	simm.s32 $0x80;
	vm0 =	veq.s32 v1, $0x0  }
0xe7: {  	s26 =	simm.s32 $0x400;
	v1 =	vld [tilespmem:s24+$0xC640];
	v7 =	vsel vm0, v7, v5;
	v6 =	vsel vm0, v10, v6;
	v5 =	vsel vm0, v63, v8  }
.LBB2_8:
0xe8: {  	p0 =	sne.s32 s26, $0xFE00;
	v8 =	vld [tilespmem:s24+$0xC650];
	[tilespmem:s23+$0xC600] =	vst v7;
	v4 =	vsel vm0, v4, v2  }
0xe9: {  	v9 =	vld [tilespmem:s24+$0xC660];
	[tilespmem:s23+$0xC610] =	vst v6  }
0xea: {  	v2 =	vld [tilespmem:s24+$0xC670];
	[tilespmem:s23+$0xC620] =	vst v5  }
0xeb: {  	v5 =	vld [tilespmem:s24+$0xC620];
	[tilespmem:s23+$0xC630] =	vst v4;
	s23 =	smov.u32 s24  }
0xec: {  	v6 =	vld.idx.msk [tilespmem:v3+s18+$0x0], $0xffff  }
0xed: {  	v10 =	vld [tilespmem:s23+$0xC610]  }
0xee: {  	v7 =	vld [tilespmem:s23+$0xC600]  }
.Ltmp3:
0xef: {  	v4 =	vld [tilespmem:s23+$0xC630];
	(pc) =	sbr.rel @p0 .LBB2_8-.Ltmp3, $4  }
0xf0: {  	_ = 	snop  }
0xf1: {  	s25 =	sadd.s32 $0x1, s25  }
0xf2: {  	s24 =	sshra.s32 s26, $0x2;
	v3 =	vmov s25;
	vm0 =	veq.s32 v6, $0x0  }
0xf3: {  	s26 =	sadd.s32 $0x200, s26;
	v6 =	vsel vm0, v10, v8;
	v5 =	vsel vm0, v5, v9;
	v7 =	vsel vm0, v7, v1;
	v1 =	vld [tilespmem:s24+$0xC640]  }
0xf4: {  	v8 =	vld [tilespmem:s24+$0xC650];
	[tilespmem:s23+$0xC600] =	vst v7  }
0xf5: {  	v7 =	vld [tilespmem:s24+$0xC660];
	[tilespmem:s23+$0xC610] =	vst v6  }
0xf6: {  	v2 =	vsel vm0, v4, v2;
	v6 =	vld [tilespmem:s24+$0xC670];
	[tilespmem:s23+$0xC620] =	vst v5  }
0xf7: {  	v63 =	vld [tilespmem:s24+$0xC620];
	[tilespmem:s23+$0xC630] =	vst v2  }
0xf8: {  	v2 =	vld.idx.msk [tilespmem:v3+s18+$0x0], $0xffff  }
0xf9: {  	v3 =	vld [tilespmem:s24+$0xC600]  }
0xfa: {  	v5 =	vld [tilespmem:s24+$0xC610];
	_ =	sdelay $0x1  }
0xfb: {  	v9 =	vld [tilespmem:s24+$0xC630]  }
0xfc: {  	vm15 =	veq.s32 v2, $0x0  }
0xfd: {  	v1 =	vsel vm15, v3, v1  }
0xfe: {  	v2 =	vsel vm15, v5, v8;
	[tilespmem:s24+$0xC600] =	vst v1  }
0xff: {  	s22 =	sadd.s32 $0x1, s22;
	v1 =	vsel vm15, v63, v7;
	[tilespmem:s24+$0xC610] =	vst v2  }
0x100: {  	p0 =	sne.s32 s22, s6;
	v2 =	vsel vm15, v9, v6;
	[tilespmem:s24+$0xC620] =	vst v1  }
.Ltmp4:
0x101: {  	[tilespmem:s24+$0xC630] =	vst v2;
	(pc) =	sbr.rel @p0 .LBB2_1-.Ltmp4, $4  }
0x102: {  	[hbm4b:s5+s2] =	stream.linear.scatter [tilespmem:s10], [sflag:$0x5], $0x10000, $0x38;
	[tilespmem:$0x10600] =	vst v63  }
0x103: {  	_ =	swait.ge [sflag:s7], $0x10000  }
0x104: {  	[sflag:s7] =	ssyncset.done $0x0  }
0x105: {  	[sflag:s7] =	ssyncadd.s32 $0xFFFF0000  }
0x106: {  	_ =	sfence.sel $0x180000  }
0x107: {  	[bflag:$0x0] =	sbarrier.arrive $0xFFFF  }
0x108: {  	p0 =	sne.s32 s1, $0x0;
	_ =	strace $0x90000047  }
0x109: {  	s0 =	sadd.s32 @!p0 $0x100000, s0;
	[bflag:$0x2] =	sbarrier.arrive $0xFFFF  }
0x10a: {  	[sflag:s0] =	ssyncadd.tile.s32 @!p0 $0x1;
	_ =	shalt  }
.Lfunc_end2:
_tile_overlayer_lowered:
.L_overlay_start_2:
0x10b: {  	(tag) =	ssettag $0x2  }
0x10c: {  	s0 =	rddreg [dreg:$0x0];
	s2 =	stileid.u32  }
0x10d: {  	s1 =	rddreg [dreg:$0x1];
	p0 =	sne.s32 s2, $0x0  }
0x10e: {  	s3 =	rddreg [dreg:$0x2];
	[bflag:$0x3] =	sbarrier.arrive $0xFFFF;
	s2 =	simm.s32 @!p0 $0x1C05  }
0x10f: {  	[timem:s3], [sflag:s2] =	dma.local @!p0 [hbm:s0], s1  }
0x110: {  	s0 =	simm.s32 @!p0 $0x5  }
0x111: {  	_ =	swait.ge @!p0 [sflag:s0], s1  }
0x112: {  	s1 =	ssub.s32 @!p0 $0x0, s1;
	[sflag:s0] =	ssyncset.done @!p0 $0x0  }
0x113: {  	[sflag:s0] =	ssyncadd.s32 @!p0 s1  }
0x114: {  	[bflag:$0x3] =	sbarrier.arrive $0xFFFF  }
0x115: {  	_ =	shalt  }

</sc_bundles>
